<compile_context>
chip_gen: v7x
topology: tpu7x:2x2x1
jax: 0.10.2.dev20260603
libtpu: 0.0.44.dev20260713+nightly
codegen_flags: <defaults>
</compile_context>

<pallas_src>
import functools

import jax
import jax.numpy as jnp
from jax import lax
from jax.experimental import pallas as pl
from jax.experimental.pallas import tpu as pltpu
from jax.experimental.pallas import tpu_sc as plsc


def _norm_body(w_ref, o_ref):
    w = w_ref[...]
    s = jnp.sum(w * w, axis=-1, keepdims=True)
    o_ref[...] = w / (jnp.sqrt(s) + 1e-6)


_CH = 64
_NBUF = 8
_SUPER = 160


@functools.lru_cache(maxsize=None)
def _make_sc_gather(B, D):
    info = plsc.get_sparse_core_info()
    NC, NS = info.num_cores, info.num_subcores
    NW = NC * NS
    b_per_w = B // NW
    n_chunks = b_per_w // _CH
    assert B % (NW * _CH) == 0 and n_chunks % _SUPER == 0 and _SUPER % _NBUF == 0
    n_super = n_chunks // _SUPER
    groups_per_super = _SUPER // _NBUF
    super_idx = _SUPER * _CH
    mesh = plsc.VectorSubcoreMesh(core_axis_name="c", subcore_axis_name="s")

    @functools.partial(
        pl.kernel,
        mesh=mesh,
        out_type=jax.ShapeDtypeStruct((B, D), jnp.float32),
        scratch_types=[
            pltpu.VMEM((super_idx,), jnp.int32),
            pltpu.VMEM((_NBUF, _CH, D), jnp.float32),
            pltpu.VMEM_SHARED((300, D), jnp.float32),
        ]
        + [pltpu.SemaphoreType.DMA] * (2 * _NBUF),
    )
    def sc_gather(code_hbm, table_hbm, out_hbm, idx_v, rows_v, table_sh, *sems):
        sem_g = sems[:_NBUF]
        sem_s = sems[_NBUF:]
        sid = lax.axis_index("s")
        wid = sid * NC + lax.axis_index("c")
        base0 = wid * b_per_w

        @pl.when(sid == 0)
        def _stage_table():
            pltpu.sync_copy(table_hbm, table_sh)

        plsc.subcore_barrier()

        def super_body(s, carry):
            sbase = pl.multiple_of(base0 + s * super_idx, _CH)
            pltpu.sync_copy(code_hbm.at[pl.ds(sbase, super_idx)], idx_v)

            def group_body(t, carry):
                gathers = []
                for b in range(_NBUF):
                    c = t * _NBUF + b

                    @pl.when(s + t > 0)
                    def _drain_store(b=b):
                        pltpu.make_async_copy(
                            rows_v.at[b], out_hbm.at[pl.ds(sbase, _CH)], sem_s[b]
                        ).wait()

                    off = pl.multiple_of(c * _CH, _CH)
                    gathers.append(
                        pltpu.async_copy(
                            table_sh.at[idx_v.at[pl.ds(off, _CH)]],
                            rows_v.at[b],
                            sem_g[b],
                        )
                    )
                for b in range(_NBUF):
                    c = t * _NBUF + b
                    gathers[b].wait()
                    obase = pl.multiple_of(sbase + c * _CH, _CH)
                    pltpu.async_copy(
                        rows_v.at[b], out_hbm.at[pl.ds(obase, _CH)], sem_s[b]
                    )
                return carry

            lax.fori_loop(0, groups_per_super, group_body, 0)
            return carry

        lax.fori_loop(0, n_super, super_body, 0)
        for b in range(_NBUF):
            pltpu.make_async_copy(
                rows_v.at[b], out_hbm.at[pl.ds(base0, _CH)], sem_s[b]
            ).wait()

    return sc_gather


def kernel(code, special_code_weight):
    V, D = special_code_weight.shape
    w = pl.pallas_call(
        _norm_body,
        out_shape=jax.ShapeDtypeStruct((V, D), jnp.float32),
    )(special_code_weight)
    flat = code.reshape(-1)
    out = _make_sc_gather(flat.shape[0], D)(flat, w)
    return out.reshape(code.shape + (D,))

# --- scband reference (transcript-rebuilt; emitter-appended) ---
"""Pipeline reference for scband-vqae-83545703842320 (READ-ONLY COPY).

The authoritative reference and input builder live on the scoring server;
editing this copy changes nothing except your own understanding.
"""

import jax, jax.numpy as jnp
import numpy as np

def setup_inputs(seed: int = 0) -> dict:
    key = jax.random.key(seed)
    k1, k2 = jax.random.split(key)
    code = jax.random.randint(k1, (16384, 200), 0, 300, dtype=jnp.int64) if jax.config.jax_enable_x64 else jax.random.randint(k1, (16384, 200), 0, 300, dtype=jnp.int32)
    special_code_weight = jax.random.normal(k2, (300, 128), dtype=jnp.float32)
    return {"code": code, "special_code_weight": special_code_weight}

def reference(code, special_code_weight):
    # special_embed = self.special_code(code)
    special_embed = jnp.take(special_code_weight, code, axis=0)
    # vec = special_embed / (special_embed.norm(dim=-1, keepdim=True) + 1e-06)
    norm = jnp.linalg.norm(special_embed, axis=-1, keepdims=True)
    vec = special_embed / (norm + 1e-06)
    return vec

if __name__ == "__main__":
    import jax
    _d = setup_inputs()
    print(jax.jit(kernel)(*tuple(_d.values())))

</pallas_src>

<mosaic_0001>
#map = affine_map<(d0, d1) -> (0)>
#map1 = affine_map<(d0, d1) -> (0, 0)>
module attributes {stable_mosaic.version = 14 : i64} {
  func.func @sc_gather(%arg0: i32, %arg1: i32, %arg2: memref<3276800xi32, #tpu.memory_space<hbm>>, %arg3: memref<300x128xf32, #tpu.memory_space<hbm>>, %arg4: memref<3276800x128xf32, #tpu.memory_space<hbm>>, %arg5: memref<10240xi32, #tpu.memory_space<vmem>>, %arg6: memref<8x64x128xf32, #tpu.memory_space<vmem>>, %arg7: memref<300x128xf32, #tpu.memory_space<vmem_shared>>, %arg8: memref<!tpu.dma_semaphore, #tpu.memory_space<semaphore_mem>>, %arg9: memref<!tpu.dma_semaphore, #tpu.memory_space<semaphore_mem>>, %arg10: memref<!tpu.dma_semaphore, #tpu.memory_space<semaphore_mem>>, %arg11: memref<!tpu.dma_semaphore, #tpu.memory_space<semaphore_mem>>, %arg12: memref<!tpu.dma_semaphore, #tpu.memory_space<semaphore_mem>>, %arg13: memref<!tpu.dma_semaphore, #tpu.memory_space<semaphore_mem>>, %arg14: memref<!tpu.dma_semaphore, #tpu.memory_space<semaphore_mem>>, %arg15: memref<!tpu.dma_semaphore, #tpu.memory_space<semaphore_mem>>, %arg16: memref<!tpu.dma_semaphore, #tpu.memory_space<semaphore_mem>>, %arg17: memref<!tpu.dma_semaphore, #tpu.memory_space<semaphore_mem>>, %arg18: memref<!tpu.dma_semaphore, #tpu.memory_space<semaphore_mem>>, %arg19: memref<!tpu.dma_semaphore, #tpu.memory_space<semaphore_mem>>, %arg20: memref<!tpu.dma_semaphore, #tpu.memory_space<semaphore_mem>>, %arg21: memref<!tpu.dma_semaphore, #tpu.memory_space<semaphore_mem>>, %arg22: memref<!tpu.dma_semaphore, #tpu.memory_space<semaphore_mem>>, %arg23: memref<!tpu.dma_semaphore, #tpu.memory_space<semaphore_mem>>) attributes {dimension_semantics = [#tpu.dimension_semantics<core_parallel>, #tpu.dimension_semantics<subcore_parallel>], iteration_bounds = array<i64: 2, 16>, scalar_prefetch = 0 : i64, scratch_operands = 19 : i64, tpu.core_type = #tpu.core_type<sc_vector_subcore>, window_params = [{transform_indices = #map}, {transform_indices = #map1}, {transform_indices = #map1}]} {
    %mul3A = arith.constant 2 : i32
    %mul3A_0 = arith.muli %arg1, %mul3A : i32
    %add3A = arith.addi %mul3A_0, %arg0 : i32
    %mul3A_1 = arith.constant 102400 : i32
    %mul3A_2 = arith.muli %add3A, %mul3A_1 : i32
    %eq3A = arith.constant 0 : i32
    %eq3A_3 = arith.cmpi eq, %arg1, %eq3A : i32
    %convert_element_type3A = arith.extui %eq3A_3 : i1 to i32
    %cond3A = arith.constant 0 : i32
    %cond3A_4 = arith.cmpi ne, %convert_element_type3A, %cond3A : i32
    scf.if %cond3A_4 {
      "tpu.region"() ({
        %run_scoped3A = tpu.sem_alloc : memref<!tpu.dma_semaphore, #tpu.memory_space<semaphore_mem>>
        tpu.enqueue_dma source(%arg3 : memref<300x128xf32, #tpu.memory_space<hbm>>) target(%arg7 : memref<300x128xf32, #tpu.memory_space<vmem_shared>>) target_semaphore(%run_scoped3A : memref<!tpu.dma_semaphore, #tpu.memory_space<semaphore_mem>>)
        tpu.wait_dma2 semaphore(%run_scoped3A : memref<!tpu.dma_semaphore, #tpu.memory_space<semaphore_mem>>) src(%arg3 : memref<300x128xf32, #tpu.memory_space<hbm>>) dst(%arg7 : memref<300x128xf32, #tpu.memory_space<vmem_shared>>)
        tpu.yield
      }) : () -> ()
    } else {
    }
    %barrier3A = arith.constant 0 : index
    tpu.barrier barrier_id(%barrier3A)
    %scan3A = arith.constant 0 : i32
    %scan3A_5 = arith.constant 0 : i32
    %scan3A_6 = arith.constant 10 : i32
    %scan3A_7 = arith.addi %scan3A_5, %scan3A_6 : i32
    %scan3A_8 = arith.constant 1 : i32
    scf.for %scan3A_113 = %scan3A_5 to %scan3A_7 step %scan3A_8  : i32 {
      %mul3A_114 = arith.constant 10240 : i32
      %mul3A_115 = arith.muli %scan3A_113, %mul3A_114 : i32
      %add3A_116 = arith.addi %mul3A_2, %mul3A_115 : i32
      %multiple_of3A = tpu.assume_multiple %add3A_116, 64 : i32
      "tpu.region"() ({
        %run_scoped3A = tpu.sem_alloc : memref<!tpu.dma_semaphore, #tpu.memory_space<semaphore_mem>>
        %dma_start3A = tpu.memref_slice %arg2[%multiple_of3A] : memref<3276800xi32, #tpu.memory_space<hbm>> -> memref<10240xi32, #tpu.memory_space<hbm>>
        %dma_start3A_123 = tpu.memref_slice %arg2[%multiple_of3A] : memref<3276800xi32, #tpu.memory_space<hbm>> -> memref<10240xi32, #tpu.memory_space<hbm>>
        tpu.enqueue_dma source(%dma_start3A_123 : memref<10240xi32, #tpu.memory_space<hbm>>) target(%arg5 : memref<10240xi32, #tpu.memory_space<vmem>>) target_semaphore(%run_scoped3A : memref<!tpu.dma_semaphore, #tpu.memory_space<semaphore_mem>>)
        %dma_wait3A_124 = tpu.memref_slice %arg2[%multiple_of3A] : memref<3276800xi32, #tpu.memory_space<hbm>> -> memref<10240xi32, #tpu.memory_space<hbm>>
        %dma_wait3A_125 = tpu.memref_slice %arg2[%multiple_of3A] : memref<3276800xi32, #tpu.memory_space<hbm>> -> memref<10240xi32, #tpu.memory_space<hbm>>
        tpu.wait_dma2 semaphore(%run_scoped3A : memref<!tpu.dma_semaphore, #tpu.memory_space<semaphore_mem>>) src(%dma_wait3A_125 : memref<10240xi32, #tpu.memory_space<hbm>>) dst(%arg5 : memref<10240xi32, #tpu.memory_space<vmem>>)
        tpu.yield
      }) : () -> ()
      %scan3A_117 = arith.constant 0 : i32
      %scan3A_118 = arith.constant 0 : i32
      %scan3A_119 = arith.constant 20 : i32
      %scan3A_120 = arith.addi %scan3A_118, %scan3A_119 : i32
      %scan3A_121 = arith.constant 1 : i32
      scf.for %scan3A_123 = %scan3A_118 to %scan3A_120 step %scan3A_121  : i32 {
        %mul3A_124 = arith.constant 8 : i32
        %mul3A_125 = arith.muli %scan3A_123, %mul3A_124 : i32
        %add3A_126 = arith.constant 0 : i32
        %add3A_127 = arith.addi %mul3A_125, %add3A_126 : i32
        %add3A_128 = arith.addi %scan3A_113, %scan3A_123 : i32
        %gt3A = arith.constant 0 : i32
        %gt3A_129 = arith.cmpi sgt, %add3A_128, %gt3A : i32
        %convert_element_type3A_130 = arith.extui %gt3A_129 : i1 to i32
        %cond3A_131 = arith.constant 0 : i32
        %cond3A_132 = arith.cmpi ne, %convert_element_type3A_130, %cond3A_131 : i32
        scf.if %cond3A_132 {
          %dma_wait3A_538 = arith.constant 0 : i32
          %dma_wait3A_539 = arith.constant 0 : i32
          %dma_wait3A_540 = arith.constant 0 : i32
          %dma_wait3A_541 = tpu.memref_slice %arg6[%dma_wait3A_538, %dma_wait3A_539, %dma_wait3A_540] : memref<8x64x128xf32, #tpu.memory_space<vmem>> -> memref<1x64x128xf32, #tpu.memory_space<vmem>>
          %dma_wait3A_542 = tpu.memref_squeeze %dma_wait3A_541 : memref<1x64x128xf32, #tpu.memory_space<vmem>> -> memref<64x128xf32, #tpu.memory_space<vmem>>
          %dma_wait3A_543 = arith.constant 0 : i32
          %dma_wait3A_544 = tpu.memref_slice %arg4[%multiple_of3A, %dma_wait3A_543] : memref<3276800x128xf32, #tpu.memory_space<hbm>> -> memref<64x128xf32, #tpu.memory_space<hbm>>
          %dma_wait3A_545 = arith.constant 0 : i32
          %dma_wait3A_546 = tpu.memref_slice %arg4[%multiple_of3A, %dma_wait3A_545] : memref<3276800x128xf32, #tpu.memory_space<hbm>> -> memref<64x128xf32, #tpu.memory_space<hbm>>
          %dma_wait3A_547 = arith.constant 0 : i32
          %dma_wait3A_548 = arith.constant 0 : i32
          %dma_wait3A_549 = tpu.memref_slice %arg6[%dma_wait3A_538, %dma_wait3A_547, %dma_wait3A_548] : memref<8x64x128xf32, #tpu.memory_space<vmem>> -> memref<1x64x128xf32, #tpu.memory_space<vmem>>
          %dma_wait3A_550 = tpu.memref_squeeze %dma_wait3A_549 : memref<1x64x128xf32, #tpu.memory_space<vmem>> -> memref<64x128xf32, #tpu.memory_space<vmem>>
          tpu.wait_dma2 semaphore(%arg16 : memref<!tpu.dma_semaphore, #tpu.memory_space<semaphore_mem>>) src(%dma_wait3A_550 : memref<64x128xf32, #tpu.memory_space<vmem>>) dst(%dma_wait3A_546 : memref<64x128xf32, #tpu.memory_space<hbm>>)
        } else {
        }
        %mul3A_133 = arith.constant 64 : i32
        %mul3A_134 = arith.muli %add3A_127, %mul3A_133 : i32
        %multiple_of3A_135 = tpu.assume_multiple %mul3A_134, 64 : i32
        %dma_start3A = arith.constant 0 : i32
        %dma_start3A_136 = arith.constant 0 : i32
        %dma_start3A_137 = arith.constant 0 : i32
        %dma_start3A_138 = tpu.memref_slice %arg6[%dma_start3A, %dma_start3A_136, %dma_start3A_137] : memref<8x64x128xf32, #tpu.memory_space<vmem>> -> memref<1x64x128xf32, #tpu.memory_space<vmem>>
        %dma_start3A_139 = tpu.memref_squeeze %dma_start3A_138 : memref<1x64x128xf32, #tpu.memory_space<vmem>> -> memref<64x128xf32, #tpu.memory_space<vmem>>
        %dma_start3A_140 = tpu.memref_slice %arg5[%multiple_of3A_135] : memref<10240xi32, #tpu.memory_space<vmem>> -> memref<64xi32, #tpu.memory_space<vmem>>
        %dma_start3A_141 = arith.constant 0 : i32
        %dma_start3A_142 = arith.constant 0 : i32
        %dma_start3A_143 = tpu.memref_slice %arg7[%dma_start3A_141, %dma_start3A_142] : memref<300x128xf32, #tpu.memory_space<vmem_shared>> -> memref<300x128xf32, #tpu.memory_space<vmem_shared>>
        tpu.enqueue_indirect_dma source(%dma_start3A_143 : memref<300x128xf32, #tpu.memory_space<vmem_shared>>) target(%dma_start3A_139 : memref<64x128xf32, #tpu.memory_space<vmem>>) offsets(%dma_start3A_140 : memref<64xi32, #tpu.memory_space<vmem>>) semaphore(%arg8 : memref<!tpu.dma_semaphore, #tpu.memory_space<semaphore_mem>>)
        %mul3A_144 = arith.constant 8 : i32
        %mul3A_145 = arith.muli %scan3A_123, %mul3A_144 : i32
        %add3A_146 = arith.constant 1 : i32
        %add3A_147 = arith.addi %mul3A_145, %add3A_146 : i32
        %add3A_148 = arith.addi %scan3A_113, %scan3A_123 : i32
        %gt3A_149 = arith.constant 0 : i32
        %gt3A_150 = arith.cmpi sgt, %add3A_148, %gt3A_149 : i32
        %convert_element_type3A_151 = arith.extui %gt3A_150 : i1 to i32
        %cond3A_152 = arith.constant 0 : i32
        %cond3A_153 = arith.cmpi ne, %convert_element_type3A_151, %cond3A_152 : i32
        scf.if %cond3A_153 {
          %dma_wait3A_538 = arith.constant 1 : i32
          %dma_wait3A_539 = arith.constant 0 : i32
          %dma_wait3A_540 = arith.constant 0 : i32
          %dma_wait3A_541 = tpu.memref_slice %arg6[%dma_wait3A_538, %dma_wait3A_539, %dma_wait3A_540] : memref<8x64x128xf32, #tpu.memory_space<vmem>> -> memref<1x64x128xf32, #tpu.memory_space<vmem>>
          %dma_wait3A_542 = tpu.memref_squeeze %dma_wait3A_541 : memref<1x64x128xf32, #tpu.memory_space<vmem>> -> memref<64x128xf32, #tpu.memory_space<vmem>>
          %dma_wait3A_543 = arith.constant 0 : i32
          %dma_wait3A_544 = tpu.memref_slice %arg4[%multiple_of3A, %dma_wait3A_543] : memref<3276800x128xf32, #tpu.memory_space<hbm>> -> memref<64x128xf32, #tpu.memory_space<hbm>>
          %dma_wait3A_545 = arith.constant 0 : i32
          %dma_wait3A_546 = tpu.memref_slice %arg4[%multiple_of3A, %dma_wait3A_545] : memref<3276800x128xf32, #tpu.memory_space<hbm>> -> memref<64x128xf32, #tpu.memory_space<hbm>>
          %dma_wait3A_547 = arith.constant 0 : i32
          %dma_wait3A_548 = arith.constant 0 : i32
          %dma_wait3A_549 = tpu.memref_slice %arg6[%dma_wait3A_538, %dma_wait3A_547, %dma_wait3A_548] : memref<8x64x128xf32, #tpu.memory_space<vmem>> -> memref<1x64x128xf32, #tpu.memory_space<vmem>>
          %dma_wait3A_550 = tpu.memref_squeeze %dma_wait3A_549 : memref<1x64x128xf32, #tpu.memory_space<vmem>> -> memref<64x128xf32, #tpu.memory_space<vmem>>
          tpu.wait_dma2 semaphore(%arg17 : memref<!tpu.dma_semaphore, #tpu.memory_space<semaphore_mem>>) src(%dma_wait3A_550 : memref<64x128xf32, #tpu.memory_space<vmem>>) dst(%dma_wait3A_546 : memref<64x128xf32, #tpu.memory_space<hbm>>)
        } else {
        }
        %mul3A_154 = arith.constant 64 : i32
        %mul3A_155 = arith.muli %add3A_147, %mul3A_154 : i32
        %multiple_of3A_156 = tpu.assume_multiple %mul3A_155, 64 : i32
        %dma_start3A_157 = arith.constant 1 : i32
        %dma_start3A_158 = arith.constant 0 : i32
        %dma_start3A_159 = arith.constant 0 : i32
        %dma_start3A_160 = tpu.memref_slice %arg6[%dma_start3A_157, %dma_start3A_158, %dma_start3A_159] : memref<8x64x128xf32, #tpu.memory_space<vmem>> -> memref<1x64x128xf32, #tpu.memory_space<vmem>>
        %dma_start3A_161 = tpu.memref_squeeze %dma_start3A_160 : memref<1x64x128xf32, #tpu.memory_space<vmem>> -> memref<64x128xf32, #tpu.memory_space<vmem>>
        %dma_start3A_162 = tpu.memref_slice %arg5[%multiple_of3A_156] : memref<10240xi32, #tpu.memory_space<vmem>> -> memref<64xi32, #tpu.memory_space<vmem>>
        %dma_start3A_163 = arith.constant 0 : i32
        %dma_start3A_164 = arith.constant 0 : i32
        %dma_start3A_165 = tpu.memref_slice %arg7[%dma_start3A_163, %dma_start3A_164] : memref<300x128xf32, #tpu.memory_space<vmem_shared>> -> memref<300x128xf32, #tpu.memory_space<vmem_shared>>
        tpu.enqueue_indirect_dma source(%dma_start3A_165 : memref<300x128xf32, #tpu.memory_space<vmem_shared>>) target(%dma_start3A_161 : memref<64x128xf32, #tpu.memory_space<vmem>>) offsets(%dma_start3A_162 : memref<64xi32, #tpu.memory_space<vmem>>) semaphore(%arg9 : memref<!tpu.dma_semaphore, #tpu.memory_space<semaphore_mem>>)
        %mul3A_166 = arith.constant 8 : i32
        %mul3A_167 = arith.muli %scan3A_123, %mul3A_166 : i32
        %add3A_168 = arith.constant 2 : i32
        %add3A_169 = arith.addi %mul3A_167, %add3A_168 : i32
        %add3A_170 = arith.addi %scan3A_113, %scan3A_123 : i32
        %gt3A_171 = arith.constant 0 : i32
        %gt3A_172 = arith.cmpi sgt, %add3A_170, %gt3A_171 : i32
        %convert_element_type3A_173 = arith.extui %gt3A_172 : i1 to i32
        %cond3A_174 = arith.constant 0 : i32
        %cond3A_175 = arith.cmpi ne, %convert_element_type3A_173, %cond3A_174 : i32
        scf.if %cond3A_175 {
          %dma_wait3A_538 = arith.constant 2 : i32
          %dma_wait3A_539 = arith.constant 0 : i32
          %dma_wait3A_540 = arith.constant 0 : i32
          %dma_wait3A_541 = tpu.memref_slice %arg6[%dma_wait3A_538, %dma_wait3A_539, %dma_wait3A_540] : memref<8x64x128xf32, #tpu.memory_space<vmem>> -> memref<1x64x128xf32, #tpu.memory_space<vmem>>
          %dma_wait3A_542 = tpu.memref_squeeze %dma_wait3A_541 : memref<1x64x128xf32, #tpu.memory_space<vmem>> -> memref<64x128xf32, #tpu.memory_space<vmem>>
          %dma_wait3A_543 = arith.constant 0 : i32
          %dma_wait3A_544 = tpu.memref_slice %arg4[%multiple_of3A, %dma_wait3A_543] : memref<3276800x128xf32, #tpu.memory_space<hbm>> -> memref<64x128xf32, #tpu.memory_space<hbm>>
          %dma_wait3A_545 = arith.constant 0 : i32
          %dma_wait3A_546 = tpu.memref_slice %arg4[%multiple_of3A, %dma_wait3A_545] : memref<3276800x128xf32, #tpu.memory_space<hbm>> -> memref<64x128xf32, #tpu.memory_space<hbm>>
          %dma_wait3A_547 = arith.constant 0 : i32
          %dma_wait3A_548 = arith.constant 0 : i32
          %dma_wait3A_549 = tpu.memref_slice %arg6[%dma_wait3A_538, %dma_wait3A_547, %dma_wait3A_548] : memref<8x64x128xf32, #tpu.memory_space<vmem>> -> memref<1x64x128xf32, #tpu.memory_space<vmem>>
          %dma_wait3A_550 = tpu.memref_squeeze %dma_wait3A_549 : memref<1x64x128xf32, #tpu.memory_space<vmem>> -> memref<64x128xf32, #tpu.memory_space<vmem>>
          tpu.wait_dma2 semaphore(%arg18 : memref<!tpu.dma_semaphore, #tpu.memory_space<semaphore_mem>>) src(%dma_wait3A_550 : memref<64x128xf32, #tpu.memory_space<vmem>>) dst(%dma_wait3A_546 : memref<64x128xf32, #tpu.memory_space<hbm>>)
        } else {
        }
        %mul3A_176 = arith.constant 64 : i32
        %mul3A_177 = arith.muli %add3A_169, %mul3A_176 : i32
        %multiple_of3A_178 = tpu.assume_multiple %mul3A_177, 64 : i32
        %dma_start3A_179 = arith.constant 2 : i32
        %dma_start3A_180 = arith.constant 0 : i32
        %dma_start3A_181 = arith.constant 0 : i32
        %dma_start3A_182 = tpu.memref_slice %arg6[%dma_start3A_179, %dma_start3A_180, %dma_start3A_181] : memref<8x64x128xf32, #tpu.memory_space<vmem>> -> memref<1x64x128xf32, #tpu.memory_space<vmem>>
        %dma_start3A_183 = tpu.memref_squeeze %dma_start3A_182 : memref<1x64x128xf32, #tpu.memory_space<vmem>> -> memref<64x128xf32, #tpu.memory_space<vmem>>
        %dma_start3A_184 = tpu.memref_slice %arg5[%multiple_of3A_178] : memref<10240xi32, #tpu.memory_space<vmem>> -> memref<64xi32, #tpu.memory_space<vmem>>
        %dma_start3A_185 = arith.constant 0 : i32
        %dma_start3A_186 = arith.constant 0 : i32
        %dma_start3A_187 = tpu.memref_slice %arg7[%dma_start3A_185, %dma_start3A_186] : memref<300x128xf32, #tpu.memory_space<vmem_shared>> -> memref<300x128xf32, #tpu.memory_space<vmem_shared>>
        tpu.enqueue_indirect_dma source(%dma_start3A_187 : memref<300x128xf32, #tpu.memory_space<vmem_shared>>) target(%dma_start3A_183 : memref<64x128xf32, #tpu.memory_space<vmem>>) offsets(%dma_start3A_184 : memref<64xi32, #tpu.memory_space<vmem>>) semaphore(%arg10 : memref<!tpu.dma_semaphore, #tpu.memory_space<semaphore_mem>>)
        %mul3A_188 = arith.constant 8 : i32
        %mul3A_189 = arith.muli %scan3A_123, %mul3A_188 : i32
        %add3A_190 = arith.constant 3 : i32
        %add3A_191 = arith.addi %mul3A_189, %add3A_190 : i32
        %add3A_192 = arith.addi %scan3A_113, %scan3A_123 : i32
        %gt3A_193 = arith.constant 0 : i32
        %gt3A_194 = arith.cmpi sgt, %add3A_192, %gt3A_193 : i32
        %convert_element_type3A_195 = arith.extui %gt3A_194 : i1 to i32
        %cond3A_196 = arith.constant 0 : i32
        %cond3A_197 = arith.cmpi ne, %convert_element_type3A_195, %cond3A_196 : i32
        scf.if %cond3A_197 {
          %dma_wait3A_538 = arith.constant 3 : i32
          %dma_wait3A_539 = arith.constant 0 : i32
          %dma_wait3A_540 = arith.constant 0 : i32
          %dma_wait3A_541 = tpu.memref_slice %arg6[%dma_wait3A_538, %dma_wait3A_539, %dma_wait3A_540] : memref<8x64x128xf32, #tpu.memory_space<vmem>> -> memref<1x64x128xf32, #tpu.memory_space<vmem>>
          %dma_wait3A_542 = tpu.memref_squeeze %dma_wait3A_541 : memref<1x64x128xf32, #tpu.memory_space<vmem>> -> memref<64x128xf32, #tpu.memory_space<vmem>>
          %dma_wait3A_543 = arith.constant 0 : i32
          %dma_wait3A_544 = tpu.memref_slice %arg4[%multiple_of3A, %dma_wait3A_543] : memref<3276800x128xf32, #tpu.memory_space<hbm>> -> memref<64x128xf32, #tpu.memory_space<hbm>>
          %dma_wait3A_545 = arith.constant 0 : i32
          %dma_wait3A_546 = tpu.memref_slice %arg4[%multiple_of3A, %dma_wait3A_545] : memref<3276800x128xf32, #tpu.memory_space<hbm>> -> memref<64x128xf32, #tpu.memory_space<hbm>>
          %dma_wait3A_547 = arith.constant 0 : i32
          %dma_wait3A_548 = arith.constant 0 : i32
          %dma_wait3A_549 = tpu.memref_slice %arg6[%dma_wait3A_538, %dma_wait3A_547, %dma_wait3A_548] : memref<8x64x128xf32, #tpu.memory_space<vmem>> -> memref<1x64x128xf32, #tpu.memory_space<vmem>>
          %dma_wait3A_550 = tpu.memref_squeeze %dma_wait3A_549 : memref<1x64x128xf32, #tpu.memory_space<vmem>> -> memref<64x128xf32, #tpu.memory_space<vmem>>
          tpu.wait_dma2 semaphore(%arg19 : memref<!tpu.dma_semaphore, #tpu.memory_space<semaphore_mem>>) src(%dma_wait3A_550 : memref<64x128xf32, #tpu.memory_space<vmem>>) dst(%dma_wait3A_546 : memref<64x128xf32, #tpu.memory_space<hbm>>)
        } else {
        }
        %mul3A_198 = arith.constant 64 : i32
        %mul3A_199 = arith.muli %add3A_191, %mul3A_198 : i32
        %multiple_of3A_200 = tpu.assume_multiple %mul3A_199, 64 : i32
        %dma_start3A_201 = arith.constant 3 : i32
        %dma_start3A_202 = arith.constant 0 : i32
        %dma_start3A_203 = arith.constant 0 : i32
        %dma_start3A_204 = tpu.memref_slice %arg6[%dma_start3A_201, %dma_start3A_202, %dma_start3A_203] : memref<8x64x128xf32, #tpu.memory_space<vmem>> -> memref<1x64x128xf32, #tpu.memory_space<vmem>>
        %dma_start3A_205 = tpu.memref_squeeze %dma_start3A_204 : memref<1x64x128xf32, #tpu.memory_space<vmem>> -> memref<64x128xf32, #tpu.memory_space<vmem>>
        %dma_start3A_206 = tpu.memref_slice %arg5[%multiple_of3A_200] : memref<10240xi32, #tpu.memory_space<vmem>> -> memref<64xi32, #tpu.memory_space<vmem>>
        %dma_start3A_207 = arith.constant 0 : i32
        %dma_start3A_208 = arith.constant 0 : i32
        %dma_start3A_209 = tpu.memref_slice %arg7[%dma_start3A_207, %dma_start3A_208] : memref<300x128xf32, #tpu.memory_space<vmem_shared>> -> memref<300x128xf32, #tpu.memory_space<vmem_shared>>
        tpu.enqueue_indirect_dma source(%dma_start3A_209 : memref<300x128xf32, #tpu.memory_space<vmem_shared>>) target(%dma_start3A_205 : memref<64x128xf32, #tpu.memory_space<vmem>>) offsets(%dma_start3A_206 : memref<64xi32, #tpu.memory_space<vmem>>) semaphore(%arg11 : memref<!tpu.dma_semaphore, #tpu.memory_space<semaphore_mem>>)
        %mul3A_210 = arith.constant 8 : i32
        %mul3A_211 = arith.muli %scan3A_123, %mul3A_210 : i32
        %add3A_212 = arith.constant 4 : i32
        %add3A_213 = arith.addi %mul3A_211, %add3A_212 : i32
        %add3A_214 = arith.addi %scan3A_113, %scan3A_123 : i32
        %gt3A_215 = arith.constant 0 : i32
        %gt3A_216 = arith.cmpi sgt, %add3A_214, %gt3A_215 : i32
        %convert_element_type3A_217 = arith.extui %gt3A_216 : i1 to i32
        %cond3A_218 = arith.constant 0 : i32
        %cond3A_219 = arith.cmpi ne, %convert_element_type3A_217, %cond3A_218 : i32
        scf.if %cond3A_219 {
          %dma_wait3A_538 = arith.constant 4 : i32
          %dma_wait3A_539 = arith.constant 0 : i32
          %dma_wait3A_540 = arith.constant 0 : i32
          %dma_wait3A_541 = tpu.memref_slice %arg6[%dma_wait3A_538, %dma_wait3A_539, %dma_wait3A_540] : memref<8x64x128xf32, #tpu.memory_space<vmem>> -> memref<1x64x128xf32, #tpu.memory_space<vmem>>
          %dma_wait3A_542 = tpu.memref_squeeze %dma_wait3A_541 : memref<1x64x128xf32, #tpu.memory_space<vmem>> -> memref<64x128xf32, #tpu.memory_space<vmem>>
          %dma_wait3A_543 = arith.constant 0 : i32
          %dma_wait3A_544 = tpu.memref_slice %arg4[%multiple_of3A, %dma_wait3A_543] : memref<3276800x128xf32, #tpu.memory_space<hbm>> -> memref<64x128xf32, #tpu.memory_space<hbm>>
          %dma_wait3A_545 = arith.constant 0 : i32
          %dma_wait3A_546 = tpu.memref_slice %arg4[%multiple_of3A, %dma_wait3A_545] : memref<3276800x128xf32, #tpu.memory_space<hbm>> -> memref<64x128xf32, #tpu.memory_space<hbm>>
          %dma_wait3A_547 = arith.constant 0 : i32
          %dma_wait3A_548 = arith.constant 0 : i32
          %dma_wait3A_549 = tpu.memref_slice %arg6[%dma_wait3A_538, %dma_wait3A_547, %dma_wait3A_548] : memref<8x64x128xf32, #tpu.memory_space<vmem>> -> memref<1x64x128xf32, #tpu.memory_space<vmem>>
          %dma_wait3A_550 = tpu.memref_squeeze %dma_wait3A_549 : memref<1x64x128xf32, #tpu.memory_space<vmem>> -> memref<64x128xf32, #tpu.memory_space<vmem>>
          tpu.wait_dma2 semaphore(%arg20 : memref<!tpu.dma_semaphore, #tpu.memory_space<semaphore_mem>>) src(%dma_wait3A_550 : memref<64x128xf32, #tpu.memory_space<vmem>>) dst(%dma_wait3A_546 : memref<64x128xf32, #tpu.memory_space<hbm>>)
        } else {
        }
        %mul3A_220 = arith.constant 64 : i32
        %mul3A_221 = arith.muli %add3A_213, %mul3A_220 : i32
        %multiple_of3A_222 = tpu.assume_multiple %mul3A_221, 64 : i32
        %dma_start3A_223 = arith.constant 4 : i32
        %dma_start3A_224 = arith.constant 0 : i32
        %dma_start3A_225 = arith.constant 0 : i32
        %dma_start3A_226 = tpu.memref_slice %arg6[%dma_start3A_223, %dma_start3A_224, %dma_start3A_225] : memref<8x64x128xf32, #tpu.memory_space<vmem>> -> memref<1x64x128xf32, #tpu.memory_space<vmem>>
        %dma_start3A_227 = tpu.memref_squeeze %dma_start3A_226 : memref<1x64x128xf32, #tpu.memory_space<vmem>> -> memref<64x128xf32, #tpu.memory_space<vmem>>
        %dma_start3A_228 = tpu.memref_slice %arg5[%multiple_of3A_222] : memref<10240xi32, #tpu.memory_space<vmem>> -> memref<64xi32, #tpu.memory_space<vmem>>
        %dma_start3A_229 = arith.constant 0 : i32
        %dma_start3A_230 = arith.constant 0 : i32
        %dma_start3A_231 = tpu.memref_slice %arg7[%dma_start3A_229, %dma_start3A_230] : memref<300x128xf32, #tpu.memory_space<vmem_shared>> -> memref<300x128xf32, #tpu.memory_space<vmem_shared>>
        tpu.enqueue_indirect_dma source(%dma_start3A_231 : memref<300x128xf32, #tpu.memory_space<vmem_shared>>) target(%dma_start3A_227 : memref<64x128xf32, #tpu.memory_space<vmem>>) offsets(%dma_start3A_228 : memref<64xi32, #tpu.memory_space<vmem>>) semaphore(%arg12 : memref<!tpu.dma_semaphore, #tpu.memory_space<semaphore_mem>>)
        %mul3A_232 = arith.constant 8 : i32
        %mul3A_233 = arith.muli %scan3A_123, %mul3A_232 : i32
        %add3A_234 = arith.constant 5 : i32
        %add3A_235 = arith.addi %mul3A_233, %add3A_234 : i32
        %add3A_236 = arith.addi %scan3A_113, %scan3A_123 : i32
        %gt3A_237 = arith.constant 0 : i32
        %gt3A_238 = arith.cmpi sgt, %add3A_236, %gt3A_237 : i32
        %convert_element_type3A_239 = arith.extui %gt3A_238 : i1 to i32
        %cond3A_240 = arith.constant 0 : i32
        %cond3A_241 = arith.cmpi ne, %convert_element_type3A_239, %cond3A_240 : i32
        scf.if %cond3A_241 {
          %dma_wait3A_538 = arith.constant 5 : i32
          %dma_wait3A_539 = arith.constant 0 : i32
          %dma_wait3A_540 = arith.constant 0 : i32
          %dma_wait3A_541 = tpu.memref_slice %arg6[%dma_wait3A_538, %dma_wait3A_539, %dma_wait3A_540] : memref<8x64x128xf32, #tpu.memory_space<vmem>> -> memref<1x64x128xf32, #tpu.memory_space<vmem>>
          %dma_wait3A_542 = tpu.memref_squeeze %dma_wait3A_541 : memref<1x64x128xf32, #tpu.memory_space<vmem>> -> memref<64x128xf32, #tpu.memory_space<vmem>>
          %dma_wait3A_543 = arith.constant 0 : i32
          %dma_wait3A_544 = tpu.memref_slice %arg4[%multiple_of3A, %dma_wait3A_543] : memref<3276800x128xf32, #tpu.memory_space<hbm>> -> memref<64x128xf32, #tpu.memory_space<hbm>>
          %dma_wait3A_545 = arith.constant 0 : i32
          %dma_wait3A_546 = tpu.memref_slice %arg4[%multiple_of3A, %dma_wait3A_545] : memref<3276800x128xf32, #tpu.memory_space<hbm>> -> memref<64x128xf32, #tpu.memory_space<hbm>>
          %dma_wait3A_547 = arith.constant 0 : i32
          %dma_wait3A_548 = arith.constant 0 : i32
          %dma_wait3A_549 = tpu.memref_slice %arg6[%dma_wait3A_538, %dma_wait3A_547, %dma_wait3A_548] : memref<8x64x128xf32, #tpu.memory_space<vmem>> -> memref<1x64x128xf32, #tpu.memory_space<vmem>>
          %dma_wait3A_550 = tpu.memref_squeeze %dma_wait3A_549 : memref<1x64x128xf32, #tpu.memory_space<vmem>> -> memref<64x128xf32, #tpu.memory_space<vmem>>
          tpu.wait_dma2 semaphore(%arg21 : memref<!tpu.dma_semaphore, #tpu.memory_space<semaphore_mem>>) src(%dma_wait3A_550 : memref<64x128xf32, #tpu.memory_space<vmem>>) dst(%dma_wait3A_546 : memref<64x128xf32, #tpu.memory_space<hbm>>)
        } else {
        }
        %mul3A_242 = arith.constant 64 : i32
        %mul3A_243 = arith.muli %add3A_235, %mul3A_242 : i32
        %multiple_of3A_244 = tpu.assume_multiple %mul3A_243, 64 : i32
        %dma_start3A_245 = arith.constant 5 : i32
        %dma_start3A_246 = arith.constant 0 : i32
        %dma_start3A_247 = arith.constant 0 : i32
        %dma_start3A_248 = tpu.memref_slice %arg6[%dma_start3A_245, %dma_start3A_246, %dma_start3A_247] : memref<8x64x128xf32, #tpu.memory_space<vmem>> -> memref<1x64x128xf32, #tpu.memory_space<vmem>>
        %dma_start3A_249 = tpu.memref_squeeze %dma_start3A_248 : memref<1x64x128xf32, #tpu.memory_space<vmem>> -> memref<64x128xf32, #tpu.memory_space<vmem>>
        %dma_start3A_250 = tpu.memref_slice %arg5[%multiple_of3A_244] : memref<10240xi32, #tpu.memory_space<vmem>> -> memref<64xi32, #tpu.memory_space<vmem>>
        %dma_start3A_251 = arith.constant 0 : i32
        %dma_start3A_252 = arith.constant 0 : i32
        %dma_start3A_253 = tpu.memref_slice %arg7[%dma_start3A_251, %dma_start3A_252] : memref<300x128xf32, #tpu.memory_space<vmem_shared>> -> memref<300x128xf32, #tpu.memory_space<vmem_shared>>
        tpu.enqueue_indirect_dma source(%dma_start3A_253 : memref<300x128xf32, #tpu.memory_space<vmem_shared>>) target(%dma_start3A_249 : memref<64x128xf32, #tpu.memory_space<vmem>>) offsets(%dma_start3A_250 : memref<64xi32, #tpu.memory_space<vmem>>) semaphore(%arg13 : memref<!tpu.dma_semaphore, #tpu.memory_space<semaphore_mem>>)
        %mul3A_254 = arith.constant 8 : i32
        %mul3A_255 = arith.muli %scan3A_123, %mul3A_254 : i32
        %add3A_256 = arith.constant 6 : i32
        %add3A_257 = arith.addi %mul3A_255, %add3A_256 : i32
        %add3A_258 = arith.addi %scan3A_113, %scan3A_123 : i32
        %gt3A_259 = arith.constant 0 : i32
        %gt3A_260 = arith.cmpi sgt, %add3A_258, %gt3A_259 : i32
        %convert_element_type3A_261 = arith.extui %gt3A_260 : i1 to i32
        %cond3A_262 = arith.constant 0 : i32
        %cond3A_263 = arith.cmpi ne, %convert_element_type3A_261, %cond3A_262 : i32
        scf.if %cond3A_263 {
          %dma_wait3A_538 = arith.constant 6 : i32
          %dma_wait3A_539 = arith.constant 0 : i32
          %dma_wait3A_540 = arith.constant 0 : i32
          %dma_wait3A_541 = tpu.memref_slice %arg6[%dma_wait3A_538, %dma_wait3A_539, %dma_wait3A_540] : memref<8x64x128xf32, #tpu.memory_space<vmem>> -> memref<1x64x128xf32, #tpu.memory_space<vmem>>
          %dma_wait3A_542 = tpu.memref_squeeze %dma_wait3A_541 : memref<1x64x128xf32, #tpu.memory_space<vmem>> -> memref<64x128xf32, #tpu.memory_space<vmem>>
          %dma_wait3A_543 = arith.constant 0 : i32
          %dma_wait3A_544 = tpu.memref_slice %arg4[%multiple_of3A, %dma_wait3A_543] : memref<3276800x128xf32, #tpu.memory_space<hbm>> -> memref<64x128xf32, #tpu.memory_space<hbm>>
          %dma_wait3A_545 = arith.constant 0 : i32
          %dma_wait3A_546 = tpu.memref_slice %arg4[%multiple_of3A, %dma_wait3A_545] : memref<3276800x128xf32, #tpu.memory_space<hbm>> -> memref<64x128xf32, #tpu.memory_space<hbm>>
          %dma_wait3A_547 = arith.constant 0 : i32
          %dma_wait3A_548 = arith.constant 0 : i32
          %dma_wait3A_549 = tpu.memref_slice %arg6[%dma_wait3A_538, %dma_wait3A_547, %dma_wait3A_548] : memref<8x64x128xf32, #tpu.memory_space<vmem>> -> memref<1x64x128xf32, #tpu.memory_space<vmem>>
          %dma_wait3A_550 = tpu.memref_squeeze %dma_wait3A_549 : memref<1x64x128xf32, #tpu.memory_space<vmem>> -> memref<64x128xf32, #tpu.memory_space<vmem>>
          tpu.wait_dma2 semaphore(%arg22 : memref<!tpu.dma_semaphore, #tpu.memory_space<semaphore_mem>>) src(%dma_wait3A_550 : memref<64x128xf32, #tpu.memory_space<vmem>>) dst(%dma_wait3A_546 : memref<64x128xf32, #tpu.memory_space<hbm>>)
        } else {
        }
        %mul3A_264 = arith.constant 64 : i32
        %mul3A_265 = arith.muli %add3A_257, %mul3A_264 : i32
        %multiple_of3A_266 = tpu.assume_multiple %mul3A_265, 64 : i32
        %dma_start3A_267 = arith.constant 6 : i32
        %dma_start3A_268 = arith.constant 0 : i32
        %dma_start3A_269 = arith.constant 0 : i32
        %dma_start3A_270 = tpu.memref_slice %arg6[%dma_start3A_267, %dma_start3A_268, %dma_start3A_269] : memref<8x64x128xf32, #tpu.memory_space<vmem>> -> memref<1x64x128xf32, #tpu.memory_space<vmem>>
        %dma_start3A_271 = tpu.memref_squeeze %dma_start3A_270 : memref<1x64x128xf32, #tpu.memory_space<vmem>> -> memref<64x128xf32, #tpu.memory_space<vmem>>
        %dma_start3A_272 = tpu.memref_slice %arg5[%multiple_of3A_266] : memref<10240xi32, #tpu.memory_space<vmem>> -> memref<64xi32, #tpu.memory_space<vmem>>
        %dma_start3A_273 = arith.constant 0 : i32
        %dma_start3A_274 = arith.constant 0 : i32
        %dma_start3A_275 = tpu.memref_slice %arg7[%dma_start3A_273, %dma_start3A_274] : memref<300x128xf32, #tpu.memory_space<vmem_shared>> -> memref<300x128xf32, #tpu.memory_space<vmem_shared>>
        tpu.enqueue_indirect_dma source(%dma_start3A_275 : memref<300x128xf32, #tpu.memory_space<vmem_shared>>) target(%dma_start3A_271 : memref<64x128xf32, #tpu.memory_space<vmem>>) offsets(%dma_start3A_272 : memref<64xi32, #tpu.memory_space<vmem>>) semaphore(%arg14 : memref<!tpu.dma_semaphore, #tpu.memory_space<semaphore_mem>>)
        %mul3A_276 = arith.constant 8 : i32
        %mul3A_277 = arith.muli %scan3A_123, %mul3A_276 : i32
        %add3A_278 = arith.constant 7 : i32
        %add3A_279 = arith.addi %mul3A_277, %add3A_278 : i32
        %add3A_280 = arith.addi %scan3A_113, %scan3A_123 : i32
        %gt3A_281 = arith.constant 0 : i32
        %gt3A_282 = arith.cmpi sgt, %add3A_280, %gt3A_281 : i32
        %convert_element_type3A_283 = arith.extui %gt3A_282 : i1 to i32
        %cond3A_284 = arith.constant 0 : i32
        %cond3A_285 = arith.cmpi ne, %convert_element_type3A_283, %cond3A_284 : i32
        scf.if %cond3A_285 {
          %dma_wait3A_538 = arith.constant 7 : i32
          %dma_wait3A_539 = arith.constant 0 : i32
          %dma_wait3A_540 = arith.constant 0 : i32
          %dma_wait3A_541 = tpu.memref_slice %arg6[%dma_wait3A_538, %dma_wait3A_539, %dma_wait3A_540] : memref<8x64x128xf32, #tpu.memory_space<vmem>> -> memref<1x64x128xf32, #tpu.memory_space<vmem>>
          %dma_wait3A_542 = tpu.memref_squeeze %dma_wait3A_541 : memref<1x64x128xf32, #tpu.memory_space<vmem>> -> memref<64x128xf32, #tpu.memory_space<vmem>>
          %dma_wait3A_543 = arith.constant 0 : i32
          %dma_wait3A_544 = tpu.memref_slice %arg4[%multiple_of3A, %dma_wait3A_543] : memref<3276800x128xf32, #tpu.memory_space<hbm>> -> memref<64x128xf32, #tpu.memory_space<hbm>>
          %dma_wait3A_545 = arith.constant 0 : i32
          %dma_wait3A_546 = tpu.memref_slice %arg4[%multiple_of3A, %dma_wait3A_545] : memref<3276800x128xf32, #tpu.memory_space<hbm>> -> memref<64x128xf32, #tpu.memory_space<hbm>>
          %dma_wait3A_547 = arith.constant 0 : i32
          %dma_wait3A_548 = arith.constant 0 : i32
          %dma_wait3A_549 = tpu.memref_slice %arg6[%dma_wait3A_538, %dma_wait3A_547, %dma_wait3A_548] : memref<8x64x128xf32, #tpu.memory_space<vmem>> -> memref<1x64x128xf32, #tpu.memory_space<vmem>>
          %dma_wait3A_550 = tpu.memref_squeeze %dma_wait3A_549 : memref<1x64x128xf32, #tpu.memory_space<vmem>> -> memref<64x128xf32, #tpu.memory_space<vmem>>
          tpu.wait_dma2 semaphore(%arg23 : memref<!tpu.dma_semaphore, #tpu.memory_space<semaphore_mem>>) src(%dma_wait3A_550 : memref<64x128xf32, #tpu.memory_space<vmem>>) dst(%dma_wait3A_546 : memref<64x128xf32, #tpu.memory_space<hbm>>)
        } else {
        }
        %mul3A_286 = arith.constant 64 : i32
        %mul3A_287 = arith.muli %add3A_279, %mul3A_286 : i32
        %multiple_of3A_288 = tpu.assume_multiple %mul3A_287, 64 : i32
        %dma_start3A_289 = arith.constant 7 : i32
        %dma_start3A_290 = arith.constant 0 : i32
        %dma_start3A_291 = arith.constant 0 : i32
        %dma_start3A_292 = tpu.memref_slice %arg6[%dma_start3A_289, %dma_start3A_290, %dma_start3A_291] : memref<8x64x128xf32, #tpu.memory_space<vmem>> -> memref<1x64x128xf32, #tpu.memory_space<vmem>>
        %dma_start3A_293 = tpu.memref_squeeze %dma_start3A_292 : memref<1x64x128xf32, #tpu.memory_space<vmem>> -> memref<64x128xf32, #tpu.memory_space<vmem>>
        %dma_start3A_294 = tpu.memref_slice %arg5[%multiple_of3A_288] : memref<10240xi32, #tpu.memory_space<vmem>> -> memref<64xi32, #tpu.memory_space<vmem>>
        %dma_start3A_295 = arith.constant 0 : i32
        %dma_start3A_296 = arith.constant 0 : i32
        %dma_start3A_297 = tpu.memref_slice %arg7[%dma_start3A_295, %dma_start3A_296] : memref<300x128xf32, #tpu.memory_space<vmem_shared>> -> memref<300x128xf32, #tpu.memory_space<vmem_shared>>
        tpu.enqueue_indirect_dma source(%dma_start3A_297 : memref<300x128xf32, #tpu.memory_space<vmem_shared>>) target(%dma_start3A_293 : memref<64x128xf32, #tpu.memory_space<vmem>>) offsets(%dma_start3A_294 : memref<64xi32, #tpu.memory_space<vmem>>) semaphore(%arg15 : memref<!tpu.dma_semaphore, #tpu.memory_space<semaphore_mem>>)
        %mul3A_298 = arith.constant 8 : i32
        %mul3A_299 = arith.muli %scan3A_123, %mul3A_298 : i32
        %add3A_300 = arith.constant 0 : i32
        %add3A_301 = arith.addi %mul3A_299, %add3A_300 : i32
        %dma_wait3A_302 = arith.constant 0 : i32
        %dma_wait3A_303 = arith.constant 0 : i32
        %dma_wait3A_304 = arith.constant 0 : i32
        %dma_wait3A_305 = tpu.memref_slice %arg6[%dma_wait3A_302, %dma_wait3A_303, %dma_wait3A_304] : memref<8x64x128xf32, #tpu.memory_space<vmem>> -> memref<1x64x128xf32, #tpu.memory_space<vmem>>
        %dma_wait3A_306 = tpu.memref_squeeze %dma_wait3A_305 : memref<1x64x128xf32, #tpu.memory_space<vmem>> -> memref<64x128xf32, #tpu.memory_space<vmem>>
        %dma_wait3A_307 = tpu.memref_slice %arg5[%multiple_of3A_135] : memref<10240xi32, #tpu.memory_space<vmem>> -> memref<64xi32, #tpu.memory_space<vmem>>
        %dma_wait3A_308 = arith.constant 0 : i32
        %dma_wait3A_309 = arith.constant 0 : i32
        %dma_wait3A_310 = tpu.memref_slice %arg7[%dma_wait3A_308, %dma_wait3A_309] : memref<300x128xf32, #tpu.memory_space<vmem_shared>> -> memref<300x128xf32, #tpu.memory_space<vmem_shared>>
        tpu.wait_indirect_dma semaphore(%arg8 : memref<!tpu.dma_semaphore, #tpu.memory_space<semaphore_mem>>) src(%dma_wait3A_310 : memref<300x128xf32, #tpu.memory_space<vmem_shared>>) dst(%dma_wait3A_306 : memref<64x128xf32, #tpu.memory_space<vmem>>)
        %mul3A_311 = arith.constant 64 : i32
        %mul3A_312 = arith.muli %add3A_301, %mul3A_311 : i32
        %add3A_313 = arith.addi %multiple_of3A, %mul3A_312 : i32
        %multiple_of3A_314 = tpu.assume_multiple %add3A_313, 64 : i32
        %dma_start3A_315 = arith.constant 0 : i32
        %dma_start3A_316 = arith.constant 0 : i32
        %dma_start3A_317 = arith.constant 0 : i32
        %dma_start3A_318 = tpu.memref_slice %arg6[%dma_start3A_315, %dma_start3A_316, %dma_start3A_317] : memref<8x64x128xf32, #tpu.memory_space<vmem>> -> memref<1x64x128xf32, #tpu.memory_space<vmem>>
        %dma_start3A_319 = tpu.memref_squeeze %dma_start3A_318 : memref<1x64x128xf32, #tpu.memory_space<vmem>> -> memref<64x128xf32, #tpu.memory_space<vmem>>
        %dma_start3A_320 = arith.constant 0 : i32
        %dma_start3A_321 = tpu.memref_slice %arg4[%multiple_of3A_314, %dma_start3A_320] : memref<3276800x128xf32, #tpu.memory_space<hbm>> -> memref<64x128xf32, #tpu.memory_space<hbm>>
        %dma_start3A_322 = arith.constant 0 : i32
        %dma_start3A_323 = tpu.memref_slice %arg4[%multiple_of3A_314, %dma_start3A_322] : memref<3276800x128xf32, #tpu.memory_space<hbm>> -> memref<64x128xf32, #tpu.memory_space<hbm>>
        %dma_start3A_324 = arith.constant 0 : i32
        %dma_start3A_325 = arith.constant 0 : i32
        %dma_start3A_326 = tpu.memref_slice %arg6[%dma_start3A_315, %dma_start3A_324, %dma_start3A_325] : memref<8x64x128xf32, #tpu.memory_space<vmem>> -> memref<1x64x128xf32, #tpu.memory_space<vmem>>
        %dma_start3A_327 = tpu.memref_squeeze %dma_start3A_326 : memref<1x64x128xf32, #tpu.memory_space<vmem>> -> memref<64x128xf32, #tpu.memory_space<vmem>>
        tpu.enqueue_dma source(%dma_start3A_327 : memref<64x128xf32, #tpu.memory_space<vmem>>) target(%dma_start3A_323 : memref<64x128xf32, #tpu.memory_space<hbm>>) target_semaphore(%arg16 : memref<!tpu.dma_semaphore, #tpu.memory_space<semaphore_mem>>)
        %mul3A_328 = arith.constant 8 : i32
        %mul3A_329 = arith.muli %scan3A_123, %mul3A_328 : i32
        %add3A_330 = arith.constant 1 : i32
        %add3A_331 = arith.addi %mul3A_329, %add3A_330 : i32
        %dma_wait3A_332 = arith.constant 1 : i32
        %dma_wait3A_333 = arith.constant 0 : i32
        %dma_wait3A_334 = arith.constant 0 : i32
        %dma_wait3A_335 = tpu.memref_slice %arg6[%dma_wait3A_332, %dma_wait3A_333, %dma_wait3A_334] : memref<8x64x128xf32, #tpu.memory_space<vmem>> -> memref<1x64x128xf32, #tpu.memory_space<vmem>>
        %dma_wait3A_336 = tpu.memref_squeeze %dma_wait3A_335 : memref<1x64x128xf32, #tpu.memory_space<vmem>> -> memref<64x128xf32, #tpu.memory_space<vmem>>
        %dma_wait3A_337 = tpu.memref_slice %arg5[%multiple_of3A_156] : memref<10240xi32, #tpu.memory_space<vmem>> -> memref<64xi32, #tpu.memory_space<vmem>>
        %dma_wait3A_338 = arith.constant 0 : i32
        %dma_wait3A_339 = arith.constant 0 : i32
        %dma_wait3A_340 = tpu.memref_slice %arg7[%dma_wait3A_338, %dma_wait3A_339] : memref<300x128xf32, #tpu.memory_space<vmem_shared>> -> memref<300x128xf32, #tpu.memory_space<vmem_shared>>
        tpu.wait_indirect_dma semaphore(%arg9 : memref<!tpu.dma_semaphore, #tpu.memory_space<semaphore_mem>>) src(%dma_wait3A_340 : memref<300x128xf32, #tpu.memory_space<vmem_shared>>) dst(%dma_wait3A_336 : memref<64x128xf32, #tpu.memory_space<vmem>>)
        %mul3A_341 = arith.constant 64 : i32
        %mul3A_342 = arith.muli %add3A_331, %mul3A_341 : i32
        %add3A_343 = arith.addi %multiple_of3A, %mul3A_342 : i32
        %multiple_of3A_344 = tpu.assume_multiple %add3A_343, 64 : i32
        %dma_start3A_345 = arith.constant 1 : i32
        %dma_start3A_346 = arith.constant 0 : i32
        %dma_start3A_347 = arith.constant 0 : i32
        %dma_start3A_348 = tpu.memref_slice %arg6[%dma_start3A_345, %dma_start3A_346, %dma_start3A_347] : memref<8x64x128xf32, #tpu.memory_space<vmem>> -> memref<1x64x128xf32, #tpu.memory_space<vmem>>
        %dma_start3A_349 = tpu.memref_squeeze %dma_start3A_348 : memref<1x64x128xf32, #tpu.memory_space<vmem>> -> memref<64x128xf32, #tpu.memory_space<vmem>>
        %dma_start3A_350 = arith.constant 0 : i32
        %dma_start3A_351 = tpu.memref_slice %arg4[%multiple_of3A_344, %dma_start3A_350] : memref<3276800x128xf32, #tpu.memory_space<hbm>> -> memref<64x128xf32, #tpu.memory_space<hbm>>
        %dma_start3A_352 = arith.constant 0 : i32
        %dma_start3A_353 = tpu.memref_slice %arg4[%multiple_of3A_344, %dma_start3A_352] : memref<3276800x128xf32, #tpu.memory_space<hbm>> -> memref<64x128xf32, #tpu.memory_space<hbm>>
        %dma_start3A_354 = arith.constant 0 : i32
        %dma_start3A_355 = arith.constant 0 : i32
        %dma_start3A_356 = tpu.memref_slice %arg6[%dma_start3A_345, %dma_start3A_354, %dma_start3A_355] : memref<8x64x128xf32, #tpu.memory_space<vmem>> -> memref<1x64x128xf32, #tpu.memory_space<vmem>>
        %dma_start3A_357 = tpu.memref_squeeze %dma_start3A_356 : memref<1x64x128xf32, #tpu.memory_space<vmem>> -> memref<64x128xf32, #tpu.memory_space<vmem>>
        tpu.enqueue_dma source(%dma_start3A_357 : memref<64x128xf32, #tpu.memory_space<vmem>>) target(%dma_start3A_353 : memref<64x128xf32, #tpu.memory_space<hbm>>) target_semaphore(%arg17 : memref<!tpu.dma_semaphore, #tpu.memory_space<semaphore_mem>>)
        %mul3A_358 = arith.constant 8 : i32
        %mul3A_359 = arith.muli %scan3A_123, %mul3A_358 : i32
        %add3A_360 = arith.constant 2 : i32
        %add3A_361 = arith.addi %mul3A_359, %add3A_360 : i32
        %dma_wait3A_362 = arith.constant 2 : i32
        %dma_wait3A_363 = arith.constant 0 : i32
        %dma_wait3A_364 = arith.constant 0 : i32
        %dma_wait3A_365 = tpu.memref_slice %arg6[%dma_wait3A_362, %dma_wait3A_363, %dma_wait3A_364] : memref<8x64x128xf32, #tpu.memory_space<vmem>> -> memref<1x64x128xf32, #tpu.memory_space<vmem>>
        %dma_wait3A_366 = tpu.memref_squeeze %dma_wait3A_365 : memref<1x64x128xf32, #tpu.memory_space<vmem>> -> memref<64x128xf32, #tpu.memory_space<vmem>>
        %dma_wait3A_367 = tpu.memref_slice %arg5[%multiple_of3A_178] : memref<10240xi32, #tpu.memory_space<vmem>> -> memref<64xi32, #tpu.memory_space<vmem>>
        %dma_wait3A_368 = arith.constant 0 : i32
        %dma_wait3A_369 = arith.constant 0 : i32
        %dma_wait3A_370 = tpu.memref_slice %arg7[%dma_wait3A_368, %dma_wait3A_369] : memref<300x128xf32, #tpu.memory_space<vmem_shared>> -> memref<300x128xf32, #tpu.memory_space<vmem_shared>>
        tpu.wait_indirect_dma semaphore(%arg10 : memref<!tpu.dma_semaphore, #tpu.memory_space<semaphore_mem>>) src(%dma_wait3A_370 : memref<300x128xf32, #tpu.memory_space<vmem_shared>>) dst(%dma_wait3A_366 : memref<64x128xf32, #tpu.memory_space<vmem>>)
        %mul3A_371 = arith.constant 64 : i32
        %mul3A_372 = arith.muli %add3A_361, %mul3A_371 : i32
        %add3A_373 = arith.addi %multiple_of3A, %mul3A_372 : i32
        %multiple_of3A_374 = tpu.assume_multiple %add3A_373, 64 : i32
        %dma_start3A_375 = arith.constant 2 : i32
        %dma_start3A_376 = arith.constant 0 : i32
        %dma_start3A_377 = arith.constant 0 : i32
        %dma_start3A_378 = tpu.memref_slice %arg6[%dma_start3A_375, %dma_start3A_376, %dma_start3A_377] : memref<8x64x128xf32, #tpu.memory_space<vmem>> -> memref<1x64x128xf32, #tpu.memory_space<vmem>>
        %dma_start3A_379 = tpu.memref_squeeze %dma_start3A_378 : memref<1x64x128xf32, #tpu.memory_space<vmem>> -> memref<64x128xf32, #tpu.memory_space<vmem>>
        %dma_start3A_380 = arith.constant 0 : i32
        %dma_start3A_381 = tpu.memref_slice %arg4[%multiple_of3A_374, %dma_start3A_380] : memref<3276800x128xf32, #tpu.memory_space<hbm>> -> memref<64x128xf32, #tpu.memory_space<hbm>>
        %dma_start3A_382 = arith.constant 0 : i32
        %dma_start3A_383 = tpu.memref_slice %arg4[%multiple_of3A_374, %dma_start3A_382] : memref<3276800x128xf32, #tpu.memory_space<hbm>> -> memref<64x128xf32, #tpu.memory_space<hbm>>
        %dma_start3A_384 = arith.constant 0 : i32
        %dma_start3A_385 = arith.constant 0 : i32
        %dma_start3A_386 = tpu.memref_slice %arg6[%dma_start3A_375, %dma_start3A_384, %dma_start3A_385] : memref<8x64x128xf32, #tpu.memory_space<vmem>> -> memref<1x64x128xf32, #tpu.memory_space<vmem>>
        %dma_start3A_387 = tpu.memref_squeeze %dma_start3A_386 : memref<1x64x128xf32, #tpu.memory_space<vmem>> -> memref<64x128xf32, #tpu.memory_space<vmem>>
        tpu.enqueue_dma source(%dma_start3A_387 : memref<64x128xf32, #tpu.memory_space<vmem>>) target(%dma_start3A_383 : memref<64x128xf32, #tpu.memory_space<hbm>>) target_semaphore(%arg18 : memref<!tpu.dma_semaphore, #tpu.memory_space<semaphore_mem>>)
        %mul3A_388 = arith.constant 8 : i32
        %mul3A_389 = arith.muli %scan3A_123, %mul3A_388 : i32
        %add3A_390 = arith.constant 3 : i32
        %add3A_391 = arith.addi %mul3A_389, %add3A_390 : i32
        %dma_wait3A_392 = arith.constant 3 : i32
        %dma_wait3A_393 = arith.constant 0 : i32
        %dma_wait3A_394 = arith.constant 0 : i32
        %dma_wait3A_395 = tpu.memref_slice %arg6[%dma_wait3A_392, %dma_wait3A_393, %dma_wait3A_394] : memref<8x64x128xf32, #tpu.memory_space<vmem>> -> memref<1x64x128xf32, #tpu.memory_space<vmem>>
        %dma_wait3A_396 = tpu.memref_squeeze %dma_wait3A_395 : memref<1x64x128xf32, #tpu.memory_space<vmem>> -> memref<64x128xf32, #tpu.memory_space<vmem>>
        %dma_wait3A_397 = tpu.memref_slice %arg5[%multiple_of3A_200] : memref<10240xi32, #tpu.memory_space<vmem>> -> memref<64xi32, #tpu.memory_space<vmem>>
        %dma_wait3A_398 = arith.constant 0 : i32
        %dma_wait3A_399 = arith.constant 0 : i32
        %dma_wait3A_400 = tpu.memref_slice %arg7[%dma_wait3A_398, %dma_wait3A_399] : memref<300x128xf32, #tpu.memory_space<vmem_shared>> -> memref<300x128xf32, #tpu.memory_space<vmem_shared>>
        tpu.wait_indirect_dma semaphore(%arg11 : memref<!tpu.dma_semaphore, #tpu.memory_space<semaphore_mem>>) src(%dma_wait3A_400 : memref<300x128xf32, #tpu.memory_space<vmem_shared>>) dst(%dma_wait3A_396 : memref<64x128xf32, #tpu.memory_space<vmem>>)
        %mul3A_401 = arith.constant 64 : i32
        %mul3A_402 = arith.muli %add3A_391, %mul3A_401 : i32
        %add3A_403 = arith.addi %multiple_of3A, %mul3A_402 : i32
        %multiple_of3A_404 = tpu.assume_multiple %add3A_403, 64 : i32
        %dma_start3A_405 = arith.constant 3 : i32
        %dma_start3A_406 = arith.constant 0 : i32
        %dma_start3A_407 = arith.constant 0 : i32
        %dma_start3A_408 = tpu.memref_slice %arg6[%dma_start3A_405, %dma_start3A_406, %dma_start3A_407] : memref<8x64x128xf32, #tpu.memory_space<vmem>> -> memref<1x64x128xf32, #tpu.memory_space<vmem>>
        %dma_start3A_409 = tpu.memref_squeeze %dma_start3A_408 : memref<1x64x128xf32, #tpu.memory_space<vmem>> -> memref<64x128xf32, #tpu.memory_space<vmem>>
        %dma_start3A_410 = arith.constant 0 : i32
        %dma_start3A_411 = tpu.memref_slice %arg4[%multiple_of3A_404, %dma_start3A_410] : memref<3276800x128xf32, #tpu.memory_space<hbm>> -> memref<64x128xf32, #tpu.memory_space<hbm>>
        %dma_start3A_412 = arith.constant 0 : i32
        %dma_start3A_413 = tpu.memref_slice %arg4[%multiple_of3A_404, %dma_start3A_412] : memref<3276800x128xf32, #tpu.memory_space<hbm>> -> memref<64x128xf32, #tpu.memory_space<hbm>>
        %dma_start3A_414 = arith.constant 0 : i32
        %dma_start3A_415 = arith.constant 0 : i32
        %dma_start3A_416 = tpu.memref_slice %arg6[%dma_start3A_405, %dma_start3A_414, %dma_start3A_415] : memref<8x64x128xf32, #tpu.memory_space<vmem>> -> memref<1x64x128xf32, #tpu.memory_space<vmem>>
        %dma_start3A_417 = tpu.memref_squeeze %dma_start3A_416 : memref<1x64x128xf32, #tpu.memory_space<vmem>> -> memref<64x128xf32, #tpu.memory_space<vmem>>
        tpu.enqueue_dma source(%dma_start3A_417 : memref<64x128xf32, #tpu.memory_space<vmem>>) target(%dma_start3A_413 : memref<64x128xf32, #tpu.memory_space<hbm>>) target_semaphore(%arg19 : memref<!tpu.dma_semaphore, #tpu.memory_space<semaphore_mem>>)
        %mul3A_418 = arith.constant 8 : i32
        %mul3A_419 = arith.muli %scan3A_123, %mul3A_418 : i32
        %add3A_420 = arith.constant 4 : i32
        %add3A_421 = arith.addi %mul3A_419, %add3A_420 : i32
        %dma_wait3A_422 = arith.constant 4 : i32
        %dma_wait3A_423 = arith.constant 0 : i32
        %dma_wait3A_424 = arith.constant 0 : i32
        %dma_wait3A_425 = tpu.memref_slice %arg6[%dma_wait3A_422, %dma_wait3A_423, %dma_wait3A_424] : memref<8x64x128xf32, #tpu.memory_space<vmem>> -> memref<1x64x128xf32, #tpu.memory_space<vmem>>
        %dma_wait3A_426 = tpu.memref_squeeze %dma_wait3A_425 : memref<1x64x128xf32, #tpu.memory_space<vmem>> -> memref<64x128xf32, #tpu.memory_space<vmem>>
        %dma_wait3A_427 = tpu.memref_slice %arg5[%multiple_of3A_222] : memref<10240xi32, #tpu.memory_space<vmem>> -> memref<64xi32, #tpu.memory_space<vmem>>
        %dma_wait3A_428 = arith.constant 0 : i32
        %dma_wait3A_429 = arith.constant 0 : i32
        %dma_wait3A_430 = tpu.memref_slice %arg7[%dma_wait3A_428, %dma_wait3A_429] : memref<300x128xf32, #tpu.memory_space<vmem_shared>> -> memref<300x128xf32, #tpu.memory_space<vmem_shared>>
        tpu.wait_indirect_dma semaphore(%arg12 : memref<!tpu.dma_semaphore, #tpu.memory_space<semaphore_mem>>) src(%dma_wait3A_430 : memref<300x128xf32, #tpu.memory_space<vmem_shared>>) dst(%dma_wait3A_426 : memref<64x128xf32, #tpu.memory_space<vmem>>)
        %mul3A_431 = arith.constant 64 : i32
        %mul3A_432 = arith.muli %add3A_421, %mul3A_431 : i32
        %add3A_433 = arith.addi %multiple_of3A, %mul3A_432 : i32
        %multiple_of3A_434 = tpu.assume_multiple %add3A_433, 64 : i32
        %dma_start3A_435 = arith.constant 4 : i32
        %dma_start3A_436 = arith.constant 0 : i32
        %dma_start3A_437 = arith.constant 0 : i32
        %dma_start3A_438 = tpu.memref_slice %arg6[%dma_start3A_435, %dma_start3A_436, %dma_start3A_437] : memref<8x64x128xf32, #tpu.memory_space<vmem>> -> memref<1x64x128xf32, #tpu.memory_space<vmem>>
        %dma_start3A_439 = tpu.memref_squeeze %dma_start3A_438 : memref<1x64x128xf32, #tpu.memory_space<vmem>> -> memref<64x128xf32, #tpu.memory_space<vmem>>
        %dma_start3A_440 = arith.constant 0 : i32
        %dma_start3A_441 = tpu.memref_slice %arg4[%multiple_of3A_434, %dma_start3A_440] : memref<3276800x128xf32, #tpu.memory_space<hbm>> -> memref<64x128xf32, #tpu.memory_space<hbm>>
        %dma_start3A_442 = arith.constant 0 : i32
        %dma_start3A_443 = tpu.memref_slice %arg4[%multiple_of3A_434, %dma_start3A_442] : memref<3276800x128xf32, #tpu.memory_space<hbm>> -> memref<64x128xf32, #tpu.memory_space<hbm>>
        %dma_start3A_444 = arith.constant 0 : i32
        %dma_start3A_445 = arith.constant 0 : i32
        %dma_start3A_446 = tpu.memref_slice %arg6[%dma_start3A_435, %dma_start3A_444, %dma_start3A_445] : memref<8x64x128xf32, #tpu.memory_space<vmem>> -> memref<1x64x128xf32, #tpu.memory_space<vmem>>
        %dma_start3A_447 = tpu.memref_squeeze %dma_start3A_446 : memref<1x64x128xf32, #tpu.memory_space<vmem>> -> memref<64x128xf32, #tpu.memory_space<vmem>>
        tpu.enqueue_dma source(%dma_start3A_447 : memref<64x128xf32, #tpu.memory_space<vmem>>) target(%dma_start3A_443 : memref<64x128xf32, #tpu.memory_space<hbm>>) target_semaphore(%arg20 : memref<!tpu.dma_semaphore, #tpu.memory_space<semaphore_mem>>)
        %mul3A_448 = arith.constant 8 : i32
        %mul3A_449 = arith.muli %scan3A_123, %mul3A_448 : i32
        %add3A_450 = arith.constant 5 : i32
        %add3A_451 = arith.addi %mul3A_449, %add3A_450 : i32
        %dma_wait3A_452 = arith.constant 5 : i32
        %dma_wait3A_453 = arith.constant 0 : i32
        %dma_wait3A_454 = arith.constant 0 : i32
        %dma_wait3A_455 = tpu.memref_slice %arg6[%dma_wait3A_452, %dma_wait3A_453, %dma_wait3A_454] : memref<8x64x128xf32, #tpu.memory_space<vmem>> -> memref<1x64x128xf32, #tpu.memory_space<vmem>>
        %dma_wait3A_456 = tpu.memref_squeeze %dma_wait3A_455 : memref<1x64x128xf32, #tpu.memory_space<vmem>> -> memref<64x128xf32, #tpu.memory_space<vmem>>
        %dma_wait3A_457 = tpu.memref_slice %arg5[%multiple_of3A_244] : memref<10240xi32, #tpu.memory_space<vmem>> -> memref<64xi32, #tpu.memory_space<vmem>>
        %dma_wait3A_458 = arith.constant 0 : i32
        %dma_wait3A_459 = arith.constant 0 : i32
        %dma_wait3A_460 = tpu.memref_slice %arg7[%dma_wait3A_458, %dma_wait3A_459] : memref<300x128xf32, #tpu.memory_space<vmem_shared>> -> memref<300x128xf32, #tpu.memory_space<vmem_shared>>
        tpu.wait_indirect_dma semaphore(%arg13 : memref<!tpu.dma_semaphore, #tpu.memory_space<semaphore_mem>>) src(%dma_wait3A_460 : memref<300x128xf32, #tpu.memory_space<vmem_shared>>) dst(%dma_wait3A_456 : memref<64x128xf32, #tpu.memory_space<vmem>>)
        %mul3A_461 = arith.constant 64 : i32
        %mul3A_462 = arith.muli %add3A_451, %mul3A_461 : i32
        %add3A_463 = arith.addi %multiple_of3A, %mul3A_462 : i32
        %multiple_of3A_464 = tpu.assume_multiple %add3A_463, 64 : i32
        %dma_start3A_465 = arith.constant 5 : i32
        %dma_start3A_466 = arith.constant 0 : i32
        %dma_start3A_467 = arith.constant 0 : i32
        %dma_start3A_468 = tpu.memref_slice %arg6[%dma_start3A_465, %dma_start3A_466, %dma_start3A_467] : memref<8x64x128xf32, #tpu.memory_space<vmem>> -> memref<1x64x128xf32, #tpu.memory_space<vmem>>
        %dma_start3A_469 = tpu.memref_squeeze %dma_start3A_468 : memref<1x64x128xf32, #tpu.memory_space<vmem>> -> memref<64x128xf32, #tpu.memory_space<vmem>>
        %dma_start3A_470 = arith.constant 0 : i32
        %dma_start3A_471 = tpu.memref_slice %arg4[%multiple_of3A_464, %dma_start3A_470] : memref<3276800x128xf32, #tpu.memory_space<hbm>> -> memref<64x128xf32, #tpu.memory_space<hbm>>
        %dma_start3A_472 = arith.constant 0 : i32
        %dma_start3A_473 = tpu.memref_slice %arg4[%multiple_of3A_464, %dma_start3A_472] : memref<3276800x128xf32, #tpu.memory_space<hbm>> -> memref<64x128xf32, #tpu.memory_space<hbm>>
        %dma_start3A_474 = arith.constant 0 : i32
        %dma_start3A_475 = arith.constant 0 : i32
        %dma_start3A_476 = tpu.memref_slice %arg6[%dma_start3A_465, %dma_start3A_474, %dma_start3A_475] : memref<8x64x128xf32, #tpu.memory_space<vmem>> -> memref<1x64x128xf32, #tpu.memory_space<vmem>>
        %dma_start3A_477 = tpu.memref_squeeze %dma_start3A_476 : memref<1x64x128xf32, #tpu.memory_space<vmem>> -> memref<64x128xf32, #tpu.memory_space<vmem>>
        tpu.enqueue_dma source(%dma_start3A_477 : memref<64x128xf32, #tpu.memory_space<vmem>>) target(%dma_start3A_473 : memref<64x128xf32, #tpu.memory_space<hbm>>) target_semaphore(%arg21 : memref<!tpu.dma_semaphore, #tpu.memory_space<semaphore_mem>>)
        %mul3A_478 = arith.constant 8 : i32
        %mul3A_479 = arith.muli %scan3A_123, %mul3A_478 : i32
        %add3A_480 = arith.constant 6 : i32
        %add3A_481 = arith.addi %mul3A_479, %add3A_480 : i32
        %dma_wait3A_482 = arith.constant 6 : i32
        %dma_wait3A_483 = arith.constant 0 : i32
        %dma_wait3A_484 = arith.constant 0 : i32
        %dma_wait3A_485 = tpu.memref_slice %arg6[%dma_wait3A_482, %dma_wait3A_483, %dma_wait3A_484] : memref<8x64x128xf32, #tpu.memory_space<vmem>> -> memref<1x64x128xf32, #tpu.memory_space<vmem>>
        %dma_wait3A_486 = tpu.memref_squeeze %dma_wait3A_485 : memref<1x64x128xf32, #tpu.memory_space<vmem>> -> memref<64x128xf32, #tpu.memory_space<vmem>>
        %dma_wait3A_487 = tpu.memref_slice %arg5[%multiple_of3A_266] : memref<10240xi32, #tpu.memory_space<vmem>> -> memref<64xi32, #tpu.memory_space<vmem>>
        %dma_wait3A_488 = arith.constant 0 : i32
        %dma_wait3A_489 = arith.constant 0 : i32
        %dma_wait3A_490 = tpu.memref_slice %arg7[%dma_wait3A_488, %dma_wait3A_489] : memref<300x128xf32, #tpu.memory_space<vmem_shared>> -> memref<300x128xf32, #tpu.memory_space<vmem_shared>>
        tpu.wait_indirect_dma semaphore(%arg14 : memref<!tpu.dma_semaphore, #tpu.memory_space<semaphore_mem>>) src(%dma_wait3A_490 : memref<300x128xf32, #tpu.memory_space<vmem_shared>>) dst(%dma_wait3A_486 : memref<64x128xf32, #tpu.memory_space<vmem>>)
        %mul3A_491 = arith.constant 64 : i32
        %mul3A_492 = arith.muli %add3A_481, %mul3A_491 : i32
        %add3A_493 = arith.addi %multiple_of3A, %mul3A_492 : i32
        %multiple_of3A_494 = tpu.assume_multiple %add3A_493, 64 : i32
        %dma_start3A_495 = arith.constant 6 : i32
        %dma_start3A_496 = arith.constant 0 : i32
        %dma_start3A_497 = arith.constant 0 : i32
        %dma_start3A_498 = tpu.memref_slice %arg6[%dma_start3A_495, %dma_start3A_496, %dma_start3A_497] : memref<8x64x128xf32, #tpu.memory_space<vmem>> -> memref<1x64x128xf32, #tpu.memory_space<vmem>>
        %dma_start3A_499 = tpu.memref_squeeze %dma_start3A_498 : memref<1x64x128xf32, #tpu.memory_space<vmem>> -> memref<64x128xf32, #tpu.memory_space<vmem>>
        %dma_start3A_500 = arith.constant 0 : i32
        %dma_start3A_501 = tpu.memref_slice %arg4[%multiple_of3A_494, %dma_start3A_500] : memref<3276800x128xf32, #tpu.memory_space<hbm>> -> memref<64x128xf32, #tpu.memory_space<hbm>>
        %dma_start3A_502 = arith.constant 0 : i32
        %dma_start3A_503 = tpu.memref_slice %arg4[%multiple_of3A_494, %dma_start3A_502] : memref<3276800x128xf32, #tpu.memory_space<hbm>> -> memref<64x128xf32, #tpu.memory_space<hbm>>
        %dma_start3A_504 = arith.constant 0 : i32
        %dma_start3A_505 = arith.constant 0 : i32
        %dma_start3A_506 = tpu.memref_slice %arg6[%dma_start3A_495, %dma_start3A_504, %dma_start3A_505] : memref<8x64x128xf32, #tpu.memory_space<vmem>> -> memref<1x64x128xf32, #tpu.memory_space<vmem>>
        %dma_start3A_507 = tpu.memref_squeeze %dma_start3A_506 : memref<1x64x128xf32, #tpu.memory_space<vmem>> -> memref<64x128xf32, #tpu.memory_space<vmem>>
        tpu.enqueue_dma source(%dma_start3A_507 : memref<64x128xf32, #tpu.memory_space<vmem>>) target(%dma_start3A_503 : memref<64x128xf32, #tpu.memory_space<hbm>>) target_semaphore(%arg22 : memref<!tpu.dma_semaphore, #tpu.memory_space<semaphore_mem>>)
        %mul3A_508 = arith.constant 8 : i32
        %mul3A_509 = arith.muli %scan3A_123, %mul3A_508 : i32
        %add3A_510 = arith.constant 7 : i32
        %add3A_511 = arith.addi %mul3A_509, %add3A_510 : i32
        %dma_wait3A_512 = arith.constant 7 : i32
        %dma_wait3A_513 = arith.constant 0 : i32
        %dma_wait3A_514 = arith.constant 0 : i32
        %dma_wait3A_515 = tpu.memref_slice %arg6[%dma_wait3A_512, %dma_wait3A_513, %dma_wait3A_514] : memref<8x64x128xf32, #tpu.memory_space<vmem>> -> memref<1x64x128xf32, #tpu.memory_space<vmem>>
        %dma_wait3A_516 = tpu.memref_squeeze %dma_wait3A_515 : memref<1x64x128xf32, #tpu.memory_space<vmem>> -> memref<64x128xf32, #tpu.memory_space<vmem>>
        %dma_wait3A_517 = tpu.memref_slice %arg5[%multiple_of3A_288] : memref<10240xi32, #tpu.memory_space<vmem>> -> memref<64xi32, #tpu.memory_space<vmem>>
        %dma_wait3A_518 = arith.constant 0 : i32
        %dma_wait3A_519 = arith.constant 0 : i32
        %dma_wait3A_520 = tpu.memref_slice %arg7[%dma_wait3A_518, %dma_wait3A_519] : memref<300x128xf32, #tpu.memory_space<vmem_shared>> -> memref<300x128xf32, #tpu.memory_space<vmem_shared>>
        tpu.wait_indirect_dma semaphore(%arg15 : memref<!tpu.dma_semaphore, #tpu.memory_space<semaphore_mem>>) src(%dma_wait3A_520 : memref<300x128xf32, #tpu.memory_space<vmem_shared>>) dst(%dma_wait3A_516 : memref<64x128xf32, #tpu.memory_space<vmem>>)
        %mul3A_521 = arith.constant 64 : i32
        %mul3A_522 = arith.muli %add3A_511, %mul3A_521 : i32
        %add3A_523 = arith.addi %multiple_of3A, %mul3A_522 : i32
        %multiple_of3A_524 = tpu.assume_multiple %add3A_523, 64 : i32
        %dma_start3A_525 = arith.constant 7 : i32
        %dma_start3A_526 = arith.constant 0 : i32
        %dma_start3A_527 = arith.constant 0 : i32
        %dma_start3A_528 = tpu.memref_slice %arg6[%dma_start3A_525, %dma_start3A_526, %dma_start3A_527] : memref<8x64x128xf32, #tpu.memory_space<vmem>> -> memref<1x64x128xf32, #tpu.memory_space<vmem>>
        %dma_start3A_529 = tpu.memref_squeeze %dma_start3A_528 : memref<1x64x128xf32, #tpu.memory_space<vmem>> -> memref<64x128xf32, #tpu.memory_space<vmem>>
        %dma_start3A_530 = arith.constant 0 : i32
        %dma_start3A_531 = tpu.memref_slice %arg4[%multiple_of3A_524, %dma_start3A_530] : memref<3276800x128xf32, #tpu.memory_space<hbm>> -> memref<64x128xf32, #tpu.memory_space<hbm>>
        %dma_start3A_532 = arith.constant 0 : i32
        %dma_start3A_533 = tpu.memref_slice %arg4[%multiple_of3A_524, %dma_start3A_532] : memref<3276800x128xf32, #tpu.memory_space<hbm>> -> memref<64x128xf32, #tpu.memory_space<hbm>>
        %dma_start3A_534 = arith.constant 0 : i32
        %dma_start3A_535 = arith.constant 0 : i32
        %dma_start3A_536 = tpu.memref_slice %arg6[%dma_start3A_525, %dma_start3A_534, %dma_start3A_535] : memref<8x64x128xf32, #tpu.memory_space<vmem>> -> memref<1x64x128xf32, #tpu.memory_space<vmem>>
        %dma_start3A_537 = tpu.memref_squeeze %dma_start3A_536 : memref<1x64x128xf32, #tpu.memory_space<vmem>> -> memref<64x128xf32, #tpu.memory_space<vmem>>
        tpu.enqueue_dma source(%dma_start3A_537 : memref<64x128xf32, #tpu.memory_space<vmem>>) target(%dma_start3A_533 : memref<64x128xf32, #tpu.memory_space<hbm>>) target_semaphore(%arg23 : memref<!tpu.dma_semaphore, #tpu.memory_space<semaphore_mem>>)
      }
      %scan3A_122 = arith.constant 20 : i32
    }
    %scan3A_9 = arith.constant 10 : i32
    %dma_wait3A = arith.constant 0 : i32
    %dma_wait3A_10 = arith.constant 0 : i32
    %dma_wait3A_11 = arith.constant 0 : i32
    %dma_wait3A_12 = tpu.memref_slice %arg6[%dma_wait3A, %dma_wait3A_10, %dma_wait3A_11] : memref<8x64x128xf32, #tpu.memory_space<vmem>> -> memref<1x64x128xf32, #tpu.memory_space<vmem>>
    %dma_wait3A_13 = tpu.memref_squeeze %dma_wait3A_12 : memref<1x64x128xf32, #tpu.memory_space<vmem>> -> memref<64x128xf32, #tpu.memory_space<vmem>>
    %dma_wait3A_14 = arith.constant 0 : i32
    %dma_wait3A_15 = tpu.memref_slice %arg4[%mul3A_2, %dma_wait3A_14] : memref<3276800x128xf32, #tpu.memory_space<hbm>> -> memref<64x128xf32, #tpu.memory_space<hbm>>
    %dma_wait3A_16 = arith.constant 0 : i32
    %dma_wait3A_17 = tpu.memref_slice %arg4[%mul3A_2, %dma_wait3A_16] : memref<3276800x128xf32, #tpu.memory_space<hbm>> -> memref<64x128xf32, #tpu.memory_space<hbm>>
    %dma_wait3A_18 = arith.constant 0 : i32
    %dma_wait3A_19 = arith.constant 0 : i32
    %dma_wait3A_20 = tpu.memref_slice %arg6[%dma_wait3A, %dma_wait3A_18, %dma_wait3A_19] : memref<8x64x128xf32, #tpu.memory_space<vmem>> -> memref<1x64x128xf32, #tpu.memory_space<vmem>>
    %dma_wait3A_21 = tpu.memref_squeeze %dma_wait3A_20 : memref<1x64x128xf32, #tpu.memory_space<vmem>> -> memref<64x128xf32, #tpu.memory_space<vmem>>
    tpu.wait_dma2 semaphore(%arg16 : memref<!tpu.dma_semaphore, #tpu.memory_space<semaphore_mem>>) src(%dma_wait3A_21 : memref<64x128xf32, #tpu.memory_space<vmem>>) dst(%dma_wait3A_17 : memref<64x128xf32, #tpu.memory_space<hbm>>)
    %dma_wait3A_22 = arith.constant 1 : i32
    %dma_wait3A_23 = arith.constant 0 : i32
    %dma_wait3A_24 = arith.constant 0 : i32
    %dma_wait3A_25 = tpu.memref_slice %arg6[%dma_wait3A_22, %dma_wait3A_23, %dma_wait3A_24] : memref<8x64x128xf32, #tpu.memory_space<vmem>> -> memref<1x64x128xf32, #tpu.memory_space<vmem>>
    %dma_wait3A_26 = tpu.memref_squeeze %dma_wait3A_25 : memref<1x64x128xf32, #tpu.memory_space<vmem>> -> memref<64x128xf32, #tpu.memory_space<vmem>>
    %dma_wait3A_27 = arith.constant 0 : i32
    %dma_wait3A_28 = tpu.memref_slice %arg4[%mul3A_2, %dma_wait3A_27] : memref<3276800x128xf32, #tpu.memory_space<hbm>> -> memref<64x128xf32, #tpu.memory_space<hbm>>
    %dma_wait3A_29 = arith.constant 0 : i32
    %dma_wait3A_30 = tpu.memref_slice %arg4[%mul3A_2, %dma_wait3A_29] : memref<3276800x128xf32, #tpu.memory_space<hbm>> -> memref<64x128xf32, #tpu.memory_space<hbm>>
    %dma_wait3A_31 = arith.constant 0 : i32
    %dma_wait3A_32 = arith.constant 0 : i32
    %dma_wait3A_33 = tpu.memref_slice %arg6[%dma_wait3A_22, %dma_wait3A_31, %dma_wait3A_32] : memref<8x64x128xf32, #tpu.memory_space<vmem>> -> memref<1x64x128xf32, #tpu.memory_space<vmem>>
    %dma_wait3A_34 = tpu.memref_squeeze %dma_wait3A_33 : memref<1x64x128xf32, #tpu.memory_space<vmem>> -> memref<64x128xf32, #tpu.memory_space<vmem>>
    tpu.wait_dma2 semaphore(%arg17 : memref<!tpu.dma_semaphore, #tpu.memory_space<semaphore_mem>>) src(%dma_wait3A_34 : memref<64x128xf32, #tpu.memory_space<vmem>>) dst(%dma_wait3A_30 : memref<64x128xf32, #tpu.memory_space<hbm>>)
    %dma_wait3A_35 = arith.constant 2 : i32
    %dma_wait3A_36 = arith.constant 0 : i32
    %dma_wait3A_37 = arith.constant 0 : i32
    %dma_wait3A_38 = tpu.memref_slice %arg6[%dma_wait3A_35, %dma_wait3A_36, %dma_wait3A_37] : memref<8x64x128xf32, #tpu.memory_space<vmem>> -> memref<1x64x128xf32, #tpu.memory_space<vmem>>
    %dma_wait3A_39 = tpu.memref_squeeze %dma_wait3A_38 : memref<1x64x128xf32, #tpu.memory_space<vmem>> -> memref<64x128xf32, #tpu.memory_space<vmem>>
    %dma_wait3A_40 = arith.constant 0 : i32
    %dma_wait3A_41 = tpu.memref_slice %arg4[%mul3A_2, %dma_wait3A_40] : memref<3276800x128xf32, #tpu.memory_space<hbm>> -> memref<64x128xf32, #tpu.memory_space<hbm>>
    %dma_wait3A_42 = arith.constant 0 : i32
    %dma_wait3A_43 = tpu.memref_slice %arg4[%mul3A_2, %dma_wait3A_42] : memref<3276800x128xf32, #tpu.memory_space<hbm>> -> memref<64x128xf32, #tpu.memory_space<hbm>>
    %dma_wait3A_44 = arith.constant 0 : i32
    %dma_wait3A_45 = arith.constant 0 : i32
    %dma_wait3A_46 = tpu.memref_slice %arg6[%dma_wait3A_35, %dma_wait3A_44, %dma_wait3A_45] : memref<8x64x128xf32, #tpu.memory_space<vmem>> -> memref<1x64x128xf32, #tpu.memory_space<vmem>>
    %dma_wait3A_47 = tpu.memref_squeeze %dma_wait3A_46 : memref<1x64x128xf32, #tpu.memory_space<vmem>> -> memref<64x128xf32, #tpu.memory_space<vmem>>
    tpu.wait_dma2 semaphore(%arg18 : memref<!tpu.dma_semaphore, #tpu.memory_space<semaphore_mem>>) src(%dma_wait3A_47 : memref<64x128xf32, #tpu.memory_space<vmem>>) dst(%dma_wait3A_43 : memref<64x128xf32, #tpu.memory_space<hbm>>)
    %dma_wait3A_48 = arith.constant 3 : i32
    %dma_wait3A_49 = arith.constant 0 : i32
    %dma_wait3A_50 = arith.constant 0 : i32
    %dma_wait3A_51 = tpu.memref_slice %arg6[%dma_wait3A_48, %dma_wait3A_49, %dma_wait3A_50] : memref<8x64x128xf32, #tpu.memory_space<vmem>> -> memref<1x64x128xf32, #tpu.memory_space<vmem>>
    %dma_wait3A_52 = tpu.memref_squeeze %dma_wait3A_51 : memref<1x64x128xf32, #tpu.memory_space<vmem>> -> memref<64x128xf32, #tpu.memory_space<vmem>>
    %dma_wait3A_53 = arith.constant 0 : i32
    %dma_wait3A_54 = tpu.memref_slice %arg4[%mul3A_2, %dma_wait3A_53] : memref<3276800x128xf32, #tpu.memory_space<hbm>> -> memref<64x128xf32, #tpu.memory_space<hbm>>
    %dma_wait3A_55 = arith.constant 0 : i32
    %dma_wait3A_56 = tpu.memref_slice %arg4[%mul3A_2, %dma_wait3A_55] : memref<3276800x128xf32, #tpu.memory_space<hbm>> -> memref<64x128xf32, #tpu.memory_space<hbm>>
    %dma_wait3A_57 = arith.constant 0 : i32
    %dma_wait3A_58 = arith.constant 0 : i32
    %dma_wait3A_59 = tpu.memref_slice %arg6[%dma_wait3A_48, %dma_wait3A_57, %dma_wait3A_58] : memref<8x64x128xf32, #tpu.memory_space<vmem>> -> memref<1x64x128xf32, #tpu.memory_space<vmem>>
    %dma_wait3A_60 = tpu.memref_squeeze %dma_wait3A_59 : memref<1x64x128xf32, #tpu.memory_space<vmem>> -> memref<64x128xf32, #tpu.memory_space<vmem>>
    tpu.wait_dma2 semaphore(%arg19 : memref<!tpu.dma_semaphore, #tpu.memory_space<semaphore_mem>>) src(%dma_wait3A_60 : memref<64x128xf32, #tpu.memory_space<vmem>>) dst(%dma_wait3A_56 : memref<64x128xf32, #tpu.memory_space<hbm>>)
    %dma_wait3A_61 = arith.constant 4 : i32
    %dma_wait3A_62 = arith.constant 0 : i32
    %dma_wait3A_63 = arith.constant 0 : i32
    %dma_wait3A_64 = tpu.memref_slice %arg6[%dma_wait3A_61, %dma_wait3A_62, %dma_wait3A_63] : memref<8x64x128xf32, #tpu.memory_space<vmem>> -> memref<1x64x128xf32, #tpu.memory_space<vmem>>
    %dma_wait3A_65 = tpu.memref_squeeze %dma_wait3A_64 : memref<1x64x128xf32, #tpu.memory_space<vmem>> -> memref<64x128xf32, #tpu.memory_space<vmem>>
    %dma_wait3A_66 = arith.constant 0 : i32
    %dma_wait3A_67 = tpu.memref_slice %arg4[%mul3A_2, %dma_wait3A_66] : memref<3276800x128xf32, #tpu.memory_space<hbm>> -> memref<64x128xf32, #tpu.memory_space<hbm>>
    %dma_wait3A_68 = arith.constant 0 : i32
    %dma_wait3A_69 = tpu.memref_slice %arg4[%mul3A_2, %dma_wait3A_68] : memref<3276800x128xf32, #tpu.memory_space<hbm>> -> memref<64x128xf32, #tpu.memory_space<hbm>>
    %dma_wait3A_70 = arith.constant 0 : i32
    %dma_wait3A_71 = arith.constant 0 : i32
    %dma_wait3A_72 = tpu.memref_slice %arg6[%dma_wait3A_61, %dma_wait3A_70, %dma_wait3A_71] : memref<8x64x128xf32, #tpu.memory_space<vmem>> -> memref<1x64x128xf32, #tpu.memory_space<vmem>>
    %dma_wait3A_73 = tpu.memref_squeeze %dma_wait3A_72 : memref<1x64x128xf32, #tpu.memory_space<vmem>> -> memref<64x128xf32, #tpu.memory_space<vmem>>
    tpu.wait_dma2 semaphore(%arg20 : memref<!tpu.dma_semaphore, #tpu.memory_space<semaphore_mem>>) src(%dma_wait3A_73 : memref<64x128xf32, #tpu.memory_space<vmem>>) dst(%dma_wait3A_69 : memref<64x128xf32, #tpu.memory_space<hbm>>)
    %dma_wait3A_74 = arith.constant 5 : i32
    %dma_wait3A_75 = arith.constant 0 : i32
    %dma_wait3A_76 = arith.constant 0 : i32
    %dma_wait3A_77 = tpu.memref_slice %arg6[%dma_wait3A_74, %dma_wait3A_75, %dma_wait3A_76] : memref<8x64x128xf32, #tpu.memory_space<vmem>> -> memref<1x64x128xf32, #tpu.memory_space<vmem>>
    %dma_wait3A_78 = tpu.memref_squeeze %dma_wait3A_77 : memref<1x64x128xf32, #tpu.memory_space<vmem>> -> memref<64x128xf32, #tpu.memory_space<vmem>>
    %dma_wait3A_79 = arith.constant 0 : i32
    %dma_wait3A_80 = tpu.memref_slice %arg4[%mul3A_2, %dma_wait3A_79] : memref<3276800x128xf32, #tpu.memory_space<hbm>> -> memref<64x128xf32, #tpu.memory_space<hbm>>
    %dma_wait3A_81 = arith.constant 0 : i32
    %dma_wait3A_82 = tpu.memref_slice %arg4[%mul3A_2, %dma_wait3A_81] : memref<3276800x128xf32, #tpu.memory_space<hbm>> -> memref<64x128xf32, #tpu.memory_space<hbm>>
    %dma_wait3A_83 = arith.constant 0 : i32
    %dma_wait3A_84 = arith.constant 0 : i32
    %dma_wait3A_85 = tpu.memref_slice %arg6[%dma_wait3A_74, %dma_wait3A_83, %dma_wait3A_84] : memref<8x64x128xf32, #tpu.memory_space<vmem>> -> memref<1x64x128xf32, #tpu.memory_space<vmem>>
    %dma_wait3A_86 = tpu.memref_squeeze %dma_wait3A_85 : memref<1x64x128xf32, #tpu.memory_space<vmem>> -> memref<64x128xf32, #tpu.memory_space<vmem>>
    tpu.wait_dma2 semaphore(%arg21 : memref<!tpu.dma_semaphore, #tpu.memory_space<semaphore_mem>>) src(%dma_wait3A_86 : memref<64x128xf32, #tpu.memory_space<vmem>>) dst(%dma_wait3A_82 : memref<64x128xf32, #tpu.memory_space<hbm>>)
    %dma_wait3A_87 = arith.constant 6 : i32
    %dma_wait3A_88 = arith.constant 0 : i32
    %dma_wait3A_89 = arith.constant 0 : i32
    %dma_wait3A_90 = tpu.memref_slice %arg6[%dma_wait3A_87, %dma_wait3A_88, %dma_wait3A_89] : memref<8x64x128xf32, #tpu.memory_space<vmem>> -> memref<1x64x128xf32, #tpu.memory_space<vmem>>
    %dma_wait3A_91 = tpu.memref_squeeze %dma_wait3A_90 : memref<1x64x128xf32, #tpu.memory_space<vmem>> -> memref<64x128xf32, #tpu.memory_space<vmem>>
    %dma_wait3A_92 = arith.constant 0 : i32
    %dma_wait3A_93 = tpu.memref_slice %arg4[%mul3A_2, %dma_wait3A_92] : memref<3276800x128xf32, #tpu.memory_space<hbm>> -> memref<64x128xf32, #tpu.memory_space<hbm>>
    %dma_wait3A_94 = arith.constant 0 : i32
    %dma_wait3A_95 = tpu.memref_slice %arg4[%mul3A_2, %dma_wait3A_94] : memref<3276800x128xf32, #tpu.memory_space<hbm>> -> memref<64x128xf32, #tpu.memory_space<hbm>>
    %dma_wait3A_96 = arith.constant 0 : i32
    %dma_wait3A_97 = arith.constant 0 : i32
    %dma_wait3A_98 = tpu.memref_slice %arg6[%dma_wait3A_87, %dma_wait3A_96, %dma_wait3A_97] : memref<8x64x128xf32, #tpu.memory_space<vmem>> -> memref<1x64x128xf32, #tpu.memory_space<vmem>>
    %dma_wait3A_99 = tpu.memref_squeeze %dma_wait3A_98 : memref<1x64x128xf32, #tpu.memory_space<vmem>> -> memref<64x128xf32, #tpu.memory_space<vmem>>
    tpu.wait_dma2 semaphore(%arg22 : memref<!tpu.dma_semaphore, #tpu.memory_space<semaphore_mem>>) src(%dma_wait3A_99 : memref<64x128xf32, #tpu.memory_space<vmem>>) dst(%dma_wait3A_95 : memref<64x128xf32, #tpu.memory_space<hbm>>)
    %dma_wait3A_100 = arith.constant 7 : i32
    %dma_wait3A_101 = arith.constant 0 : i32
    %dma_wait3A_102 = arith.constant 0 : i32
    %dma_wait3A_103 = tpu.memref_slice %arg6[%dma_wait3A_100, %dma_wait3A_101, %dma_wait3A_102] : memref<8x64x128xf32, #tpu.memory_space<vmem>> -> memref<1x64x128xf32, #tpu.memory_space<vmem>>
    %dma_wait3A_104 = tpu.memref_squeeze %dma_wait3A_103 : memref<1x64x128xf32, #tpu.memory_space<vmem>> -> memref<64x128xf32, #tpu.memory_space<vmem>>
    %dma_wait3A_105 = arith.constant 0 : i32
    %dma_wait3A_106 = tpu.memref_slice %arg4[%mul3A_2, %dma_wait3A_105] : memref<3276800x128xf32, #tpu.memory_space<hbm>> -> memref<64x128xf32, #tpu.memory_space<hbm>>
    %dma_wait3A_107 = arith.constant 0 : i32
    %dma_wait3A_108 = tpu.memref_slice %arg4[%mul3A_2, %dma_wait3A_107] : memref<3276800x128xf32, #tpu.memory_space<hbm>> -> memref<64x128xf32, #tpu.memory_space<hbm>>
    %dma_wait3A_109 = arith.constant 0 : i32
    %dma_wait3A_110 = arith.constant 0 : i32
    %dma_wait3A_111 = tpu.memref_slice %arg6[%dma_wait3A_100, %dma_wait3A_109, %dma_wait3A_110] : memref<8x64x128xf32, #tpu.memory_space<vmem>> -> memref<1x64x128xf32, #tpu.memory_space<vmem>>
    %dma_wait3A_112 = tpu.memref_squeeze %dma_wait3A_111 : memref<1x64x128xf32, #tpu.memory_space<vmem>> -> memref<64x128xf32, #tpu.memory_space<vmem>>
    tpu.wait_dma2 semaphore(%arg23 : memref<!tpu.dma_semaphore, #tpu.memory_space<semaphore_mem>>) src(%dma_wait3A_112 : memref<64x128xf32, #tpu.memory_space<vmem>>) dst(%dma_wait3A_108 : memref<64x128xf32, #tpu.memory_space<hbm>>)
    return
  }
}

module attributes {stable_mosaic.version = 14 : i64} {
  func.func @_norm_body(%arg0: memref<300x128xf32, #tpu.memory_space<vmem>>, %arg1: memref<300x128xf32, #tpu.memory_space<vmem>>) attributes {dimension_semantics = [], scalar_prefetch = 0 : i64, scratch_operands = 0 : i64, tpu.core_type = #tpu.core_type<tc>} {
    %get3A = arith.constant 0 : index
    %get3A_0 = arith.constant 0 : index
    %get3A_1 = vector.load %arg0[%get3A, %get3A_0] : memref<300x128xf32, #tpu.memory_space<vmem>>, vector<300x128xf32>
    %mul3A = arith.mulf %get3A_1, %get3A_1 : vector<300x128xf32>
    %reduce_sum3A = arith.constant dense<0.000000e+00> : vector<300xf32>
    %reduce_sum3A_2 = vector.multi_reduction <add>, %mul3A, %reduce_sum3A [1] : vector<300x128xf32> to vector<300xf32>
    %broadcast_in_dim3A = vector.shape_cast %reduce_sum3A_2 : vector<300xf32> to vector<300x1xf32>
    %sqrt3A = math.sqrt %broadcast_in_dim3A : vector<300x1xf32>
    %add3A = arith.constant 9.99999997E-7 : f32
    %add3A_3 = vector.broadcast %add3A : f32 to vector<300x1xf32>
    %add3A_4 = arith.addf %sqrt3A, %add3A_3 : vector<300x1xf32>
    %div3A = vector.broadcast %add3A_4 : vector<300x1xf32> to vector<300x128xf32>
    %div3A_5 = arith.divf %get3A_1, %div3A : vector<300x128xf32>
    %swap3A = arith.constant 0 : index
    %swap3A_6 = arith.constant 0 : index
    %swap3A_7 = vector.load %arg1[%swap3A, %swap3A_6] : memref<300x128xf32, #tpu.memory_space<vmem>>, vector<300x128xf32>
    tpu.vector_store %arg1[%swap3A, %swap3A_6], %div3A_5 {strides = array<i32>} : memref<300x128xf32, #tpu.memory_space<vmem>>, vector<300x128xf32>,
    return
  }
}

</mosaic_0001>

<sc_bundles>
// kernel: kernel.4.cloned.1.call-start
scs
__scs_entry_jumppad:
0x0: {  	(pc) =	sbr.rel $0x88, $3  }
0x1: {  	(tag) =	ssettag $0x0;
	lr =	simm.s32 $0x1  }
0x2: {  	[smem:$0x3F9F] =	sst lr;
	_ =	strace $0xD0000000  }
0x3: {  	_ = 	snop  }
0x4: {  	_ = 	snop  }
0x5: {  	_ = 	snop  }
0x6: {  	_ = 	snop  }
0x7: {  	_ = 	snop  }
__scs_overlays_trampoline_lowered:
0x8: {  	[smem:$0x3FAE] =	sst s0  }
0x9: {  	[smem:$0x3FAF] =	sst s1  }
0xa: {  	[smem:$0x3FB0] =	sst s2  }
0xb: {  	[smem:$0x3FB1] =	sst s3  }
0xc: {  	[smem:$0x3FB2] =	sst s4  }
0xd: {  	[smem:$0x3FB3] =	sst s5  }
0xe: {  	[smem:$0x3FB4] =	sst s6  }
0xf: {  	[smem:$0x3FB5] =	sst s7  }
0x10: {  	[smem:$0x3FB6] =	sst s8  }
0x11: {  	[smem:$0x3FB7] =	sst s9;
	s0 =	simm.s32 @!p0 $0x0  }
0x12: {  	s1 =	sld [smem:$0x3F9D];
	s0 =	simm.s32 @p0 $0x1  }
0x13: {  	[smem:$0x3FB8] =	sst s0;
	s0 =	simm.s32 @!p1 $0x0  }
0x14: {  	s2 =	sld [smem:$0x3F9C];
	s0 =	simm.s32 @p1 $0x1  }
0x15: {  	[smem:$0x3FB9] =	sst s0;
	s0 =	simm.s32 @!p2 $0x0  }
0x16: {  	s3 =	sld [smem:$0x3FDB];
	s0 =	simm.s32 @p2 $0x1  }
0x17: {  	s4 =	simm.s32 $0x1BF5;
	[smem:$0x3FBB] =	sst s0  }
0x18: {  	s0 =	sld [smem:$0x3F9E];
	_ =	swait.ge [sflag:s4], $0x0  }
0x19: {  	s7 =	sld [smem:$0x3F9F]  }
0x1a: {  	s8 =	sadd.s32 $0xFFFFE003, lr  }
0x1b: {  	s9 =	sadd.s32 $0xFFFFFEF7, lr;
	s5 =	simm.s32 $0xFFFFFFFF;
	p2 =	slt.u32 s8, $0xFFFFF086  }
0x1c: {  	p1 =	slt.u32 s9, $0xF7A;
	s5 =	simm.s32 @!p2 $0x0  }
0x1d: {  	s5 =	simm.s32 @p1 $0x1;
	p0 =	seq.s32 s7, s2  }
0x1e: {  	s7 =	smul.u32 @!p0 $0xF7A, s2;
	p2 =	seq.s32 @!p0 s5, $0x0  }
0x1f: {  	s9 =	smul.u32 $0xF7A, s1;
	s8 =	simm.s32 @!p0 $0x1BF5;
	p2 =	por !p2, p0  }
0x20: {  	[sflag:s8] =	ssyncset.s32 @!p0 $0xFFFFF086;
	s6 =	sadd.s32 @!p0 s3, s7;
	s7 =	simm.s32 @!p0 $0x108  }
0x21: {  	s3 =	sadd.s32 s3, s9;
	s6 =	sadd.s32 @!p0 $0x88, s6;
	s7 =	simm.s32 @p2 $0x1082  }
0x22: {  	[simem:s7], [sflag:s8] =	dma.local @!p0 [hbm:s6], $0xF7A  }
0x23: {  	s9 =	sor.u32 $0xD0000000, s2;
	s6 =	simm.s32 $0x108;
	_ =	swait.ge @!p0 [sflag:s8], $0x0  }
0x24: {  	s3 =	sadd.s32 $0x88, s3;
	s6 =	simm.s32 @!p1 $0x1082;
	[sflag:s4] =	ssyncset.s32 $0xFFFFF086  }
0x25: {  	[simem:s6], [sflag:s4] =	dma.local [hbm:s3], $0xF7A  }
0x26: {  	[smem:$0x3F9F] =	sst s1;
	(tag) =	ssettag s2;
	_ =	strace s9  }
0x27: {  	s1 =	sld [smem:$0x3FAF]  }
0x28: {  	s2 =	sld [smem:$0x3FB0]  }
0x29: {  	s4 =	sld [smem:$0x3FB2]  }
0x2a: {  	p0 =	seq.s32 s5, $0x0;
	s5 =	sld [smem:$0x3FB3]  }
0x2b: {  	s6 =	sld [smem:$0x3FB4]  }
0x2c: {  	s7 =	sld [smem:$0x3FB5]  }
0x2d: {  	s3 =	simm.s32 $0x108;
	s8 =	sld [smem:$0x3FB6]  }
0x2e: {  	s3 =	simm.s32 @!p0 $0x1082;
	s9 =	sld [smem:$0x3FB7]  }
0x2f: {  	lr =	sadd.s32 s0, s3;
	s0 =	sld [smem:$0x3FAE]  }
0x30: {  	s3 =	sld [smem:$0x3FB1]  }
0x31: {  	[smem:$0x3FBA] =	sst s10  }
0x32: {  	s10 =	sld [smem:$0x3FB8];
	_ =	sdelay $0x3  }
0x33: {  	p0 =	seq.s32 s10, $0x1;
	s10 =	sld [smem:$0x3FBA];
	_ =	sdelay $0x3  }
0x34: {  	[smem:$0x3FBA] =	sst s10  }
0x35: {  	s10 =	sld [smem:$0x3FB9];
	_ =	sdelay $0x3  }
0x36: {  	p1 =	seq.s32 s10, $0x1;
	s10 =	sld [smem:$0x3FBA];
	_ =	sdelay $0x3  }
0x37: {  	[smem:$0x3FBA] =	sst s10  }
0x38: {  	s10 =	sld [smem:$0x3FBB]  }
0x39: {  	_ = 	snop;
	(pc) =	sbr.ind lr, $3  }
0x3a: {  	_ = 	snop  }
0x3b: {  	_ = 	snop  }
0x3c: {  	p2 =	seq.s32 s10, $0x1;
	s10 =	sld [smem:$0x3FBA]  }
0x3d: {  	_ =	shalt  }
0x3e: {  	_ =	shalt  }
0x3f: {  	_ =	shalt  }
0x40: {  	_ =	shalt  }
0x41: {  	_ =	shalt  }
0x42: {  	_ =	shalt  }
0x43: {  	_ =	shalt  }
0x44: {  	_ =	shalt  }
0x45: {  	_ =	shalt  }
0x46: {  	_ =	shalt  }
0x47: {  	_ =	shalt  }
0x48: {  	_ =	shalt  }
0x49: {  	_ =	shalt  }
0x4a: {  	_ =	shalt  }
0x4b: {  	_ =	shalt  }
0x4c: {  	_ =	shalt  }
0x4d: {  	_ =	shalt  }
0x4e: {  	_ =	shalt  }
0x4f: {  	_ =	shalt  }
0x50: {  	_ =	shalt  }
0x51: {  	_ =	shalt  }
0x52: {  	_ =	shalt  }
0x53: {  	_ =	shalt  }
0x54: {  	_ =	shalt  }
0x55: {  	_ =	shalt  }
0x56: {  	_ =	shalt  }
0x57: {  	_ =	shalt  }
0x58: {  	_ =	shalt  }
0x59: {  	_ =	shalt  }
0x5a: {  	_ =	shalt  }
0x5b: {  	_ =	shalt  }
0x5c: {  	_ =	shalt  }
0x5d: {  	_ =	shalt  }
0x5e: {  	_ =	shalt  }
0x5f: {  	_ =	shalt  }
0x60: {  	_ =	shalt  }
0x61: {  	_ =	shalt  }
0x62: {  	_ =	shalt  }
0x63: {  	_ =	shalt  }
0x64: {  	_ =	shalt  }
0x65: {  	_ =	shalt  }
0x66: {  	_ =	shalt  }
0x67: {  	_ =	shalt  }
0x68: {  	_ =	shalt  }
0x69: {  	_ =	shalt  }
0x6a: {  	_ =	shalt  }
0x6b: {  	_ =	shalt  }
0x6c: {  	_ =	shalt  }
0x6d: {  	_ =	shalt  }
0x6e: {  	_ =	shalt  }
0x6f: {  	_ =	shalt  }
0x70: {  	_ =	shalt  }
0x71: {  	_ =	shalt  }
0x72: {  	_ =	shalt  }
0x73: {  	_ =	shalt  }
0x74: {  	_ =	shalt  }
0x75: {  	_ =	shalt  }
0x76: {  	_ =	shalt  }
0x77: {  	_ =	shalt  }
0x78: {  	_ =	shalt  }
0x79: {  	_ =	shalt  }
0x7a: {  	_ =	shalt  }
0x7b: {  	_ =	shalt  }
0x7c: {  	_ =	shalt  }
0x7d: {  	_ =	shalt  }
0x7e: {  	_ =	shalt  }
0x7f: {  	_ =	shalt  }
0x80: {  	_ =	shalt  }
0x81: {  	_ =	shalt  }
0x82: {  	_ =	shalt  }
0x83: {  	_ =	shalt  }
0x84: {  	_ =	shalt  }
0x85: {  	_ =	shalt  }
0x86: {  	_ =	shalt  }
0x87: {  	_ =	shalt  }
.Lfunc_end0:
.L_simem_size_0:
called_computation_lowered:
.L_overlay_start_0:
0x88: {  	s2 =	sld [smem:$0x3FD9]  }
0x89: {  	s3 =	sld [smem:$0x3FFE];
	_ =	sdelay $0x1  }
0x8a: {  	s1 =	srdreg.scid  }
0x8b: {  	s0 =	sand.u32 $0x1, s1  }
0x8c: {  	s17 =	sshll.u32 s0, $0xA;
	s2 =	sadd.s32 s3, s2  }
0x8d: {  	s2 =	sadd.s32 s2, s17  }
0x8e: {  	[smem:$0x3FC6] =	sst s2  }
0x8f: {  	_ = 	snop  }
0x90: {  	s2 =	sld [smem:$0x3FD0];
	(tm) =	ssettm $0x1  }
0x91: {  	s18 =	sld [smem:$0x3FFB];
	_ =	sdelay $0x3  }
0x92: {  	_ =	strace s18  }
0x93: {  	s3 =	sld [smem:$0x3FFC];
	_ =	sdelay $0x3  }
0x94: {  	_ =	strace s3  }
0x95: {  	s3 =	sld [smem:$0x3FFD];
	_ =	sdelay $0x3  }
0x96: {  	_ =	strace s3  }
0x97: {  	_ =	strace $0x8FFFFFFF  }
0x98: {  	s19 =	sld [smem:$0x3FDB];
	_ =	sdelay $0x1  }
0x99: {  	s4 =	simm.s32 $_scs_section_size  }
0x9a: {  	s5 =	simm.s32 $_size__tile_overlayer_lowered;
	s6 =	simm.s32 $_tile_overlayer_lowered  }
0x9b: {  	s22 =	simm.s32 $0x1BFF;
	s21 =	sshll.u32 s6, $0x1;
	s3 =	sadd.s32 s4, s19  }
0x9c: {  	s7 =	simm.s32 $0x0;
	s20 =	sshll.u32 s5, $0x1;
	s5 =	sadd.s32 s21, s3  }
0x9d: {  	[timem:s7], [sflag:s22] =	dma.local [hbm:s5], s20  }
0x9e: {  	_ =	swait.ge [sflag:s22], s20  }
0x9f: {  	s4 =	ssub.s32 $0x0, s20;
	[sflag:s22] =	ssyncset.done $0x0  }
0xa0: {  	[sflag:s22] =	ssyncadd.s32 s4;
	_ =	sdelay $0x1  }
0xa1: {  	s23 =	simm.s32 $0x1B8B  }
0xa2: {  	_ =	swait.ge [sflag:s23], $0x1  }
0xa3: {  	[sflag:s23] =	ssyncset.done $0x0  }
0xa4: {  	s25 =	simm.s32 $0x1B8E;
	s24 =	sld [smem:$0x3FFE];
	[sflag:s23] =	ssyncadd.s32 $0xFFFFFFFF  }
0xa5: {  	s26 =	simm.s32 $execute0_lowered;
	[smem:$0x3FD2] =	sst s25  }
0xa6: {  	s5 =	sshll.u32 s26, $0x1;
	_ =	strace $0x80000046;
	[dreg:$0x1] =	wrdreg $0xFFFFFFFF  }
0xa7: {  	s28 =	simm.s32 $_size_execute0_lowered;
	s3 =	sadd.s32 s3, s5;
	[dreg:$0x0] =	wrdreg $0x0  }
0xa8: {  	s5 =	sshll.u32 s28, $0x1;
	[dreg:$0x2] =	wrdreg s3  }
0xa9: {  	[dreg:$0x3] =	wrdreg s5  }
0xaa: {  	[dreg:$0x4] =	wrdreg $0xC0  }
0xab: {  	_ =	task [dreg:s7], $0x5FFFF  }
0xac: {  	[dreg:$0x1] =	wrdreg $0xFFFFFFFF  }
0xad: {  	[dreg:$0x0] =	wrdreg $0x60  }
0xae: {  	[dreg:$0x2] =	wrdreg s24  }
0xaf: {  	[dreg:$0x3] =	wrdreg s2  }
0xb0: {  	[dreg:$0x4] =	wrdreg $0x128000  }
0xb1: {  	[dreg:$0x5] =	wrdreg $0x9  }
0xb2: {  	_ =	task.clear_ibuf [dreg:s7], $0x6FFFF;
	_ =	strace $0x90000046  }
0xb3: {  	s29 =	simm.s32 $0x9;
	_ =	strace $0x80000048  }
0xb4: {  	_ =	swait.ge [sflag:s29], $0x1  }
0xb5: {  	[sflag:s29] =	ssyncadd.s32 $0xFFFFFFFF  }
0xb6: {  	_ =	strace $0x90000048  }
0xb7: {  	_ =	sfence  }
0xb8: {  	s30 =	sld [smem:$0x0];
	_ =	sdelay $0x2  }
0xb9: {  	s31 =	sshll.u32 s1, $0xD;
	s1 =	sshrl.u32 s1, $0x2  }
0xba: {  	s3 =	sand.u32 $0x4000, s31;
	s1 =	sadd.s32 s1, s30  }
0xbb: {  	s0 =	sor.u32 s3, s0;
	s1 =	sshll.u32 s1, $0x11  }
0xbc: {  	s0 =	sor.u32 s1, s0  }
0xbd: {  	s0 =	sadd.s32 $0x8F2B, s0  }
0xbe: {  	[sflag:s0] =	ssyncadd.remote.s32 $0x1  }
0xbf: {  	_ =	sfence.sel $0xFFFF  }
0xc0: {  	[dreg:$0x0] =	wrdreg $0xFFFFFFFF;
	(pc) =	sbr.abs _section_cstart, $3  }
0xc1: {  	[dreg:$0x1] =	wrdreg $0xFFFFFFFF  }
0xc2: {  	_ =	task.clear_ibuf [dreg:s7], $0x2FFFF;
	_ =	strace $0x9FFFFFFF  }
0xc3: {  	(tm) =	ssettm $0x7FFFFFFF  }
tec
execute0_lowered:
.L_overlay_start_1:
0x0: {  	(tag) =	ssettag $0x1  }
0x1: {  	s0 =	rddreg [dreg:$0x0]  }
0x2: {  	s1 =	rddreg [dreg:$0x1]  }
0x3: {  	s2 =	rddreg [dreg:$0x2]  }
0x4: {  	s3 =	simm.s32 $0x0;
	s4 =	srdreg.scid;
	s7 =	stileid.u32  }
0x5: {  	s22 =	simm.s32 $0x40;
	s10 =	simm.s32 $0x10800;
	s23 =	simm.s32 $0x2800  }
0x6: {  	s11 =	simm.s32 $0x1;
	s24 =	simm.s32 $0x4800;
	s12 =	simm.s32 $0x2  }
0x7: {  	s25 =	simm.s32 $0x6800;
	s13 =	simm.s32 $0x3;
	[smem:$0x7FF] =	sst s3  }
0x8: {  	s5 =	sand.u32 $0x1, s4;
	s4 =	sadd.s32 $0x1C00, s0;
	s0 =	sadd.s32 $0x800, s0  }
0x9: {  	s26 =	simm.s32 $0x8800;
	_ =	strace $0x80000047;
	[dreg:$0xc] =	wrdreg s0  }
0xa: {  	s14 =	simm.s32 $0x4;
	s29 =	simm.s32 $0xA800;
	[dreg:$0x4] =	wrdreg s22  }
0xb: {  	s15 =	simm.s32 $0x5;
	s30 =	simm.s32 $0xC800;
	[dreg:$0x5] =	wrdreg s23  }
0xc: {  	s16 =	simm.s32 $0x6;
	s31 =	simm.s32 $0xE800;
	[dreg:$0x6] =	wrdreg s24  }
0xd: {  	s17 =	simm.s32 $0x7;
	s18 =	simm.s32 $0x8;
	[dreg:$0x7] =	wrdreg s25  }
0xe: {  	s28 =	simm.s32 $0x0;
	s9 =	sshll.u32 s7, $0x1;
	[dreg:$0x8] =	wrdreg s26  }
0xf: {  	p0 =	sne.s32 s7, $0x0;
	s6 =	ssub.s32 $0x2, s5;
	[dreg:$0x9] =	wrdreg s29  }
0x10: {  	s5 =	sor.u32 s5, s9;
	[dreg:$0xa] =	wrdreg s30;
	s8 =	sshrl.u32 s6, $0x1  }
0x11: {  	s9 =	simm.s32 $0x11;
	[dreg:$0xb] =	wrdreg s31;
	s21 =	ssub.s32 s6, s8  }
0x12: {  	s23 =	simm.s32 $0xD;
	s24 =	simm.s32 $0xE;
	s0 =	smax.u32 s21, $0x1  }
0x13: {  	s25 =	simm.s32 $0xF;
	[dreg:$0xd] =	wrdreg s0;
	s0 =	sshrl.u32 @!p0 s2, $0x3  }
0x14: {  	s26 =	simm.s32 $0x10;
	s6 =	smul.u32 $0x19000, s5;
	[dreg:$0xe] =	wrdreg s0  }
.LBB2_1:
0x15: {  	s5 =	rddreg [dreg:$0xc]  }
0x16: {  	s0 =	simm.s32 @!p0 $0x1C11;
	s7 =	rddreg [dreg:$0xe]  }
0x17: {  	[spmem:s7], [sflag:s0] =	dma.local @!p0 [hbm:s5], $0x12C0  }
0x18: {  	s0 =	simm.s32 @!p0 $0x11  }
0x19: {  	_ =	swait.ge @!p0 [sflag:s0], $0x12C0  }
0x1a: {  	[sflag:s0] =	ssyncset.done @!p0 $0x0  }
0x1b: {  	[sflag:s0] =	ssyncadd.s32 @!p0 $0xFFFFED40  }
0x1c: {  	s29 =	simm.s32 $0x0;
	[bflag:$0x0] =	sbarrier.arrive $0xFFFF  }
.LBB2_2:
0x1d: {  	s0 =	smul.u32 $0x2800, s29;
	_ =	sdelay $0x1  }
0x1e: {  	s30 =	sadd.s32 s6, s0  }
0x1f: {  	s0 =	sshrl.u32 s30, $0x3  }
0x20: {  	s5 =	simm.s32 $0x0;
	s0 =	sadd.s32 s4, s0  }
0x21: {  	[tilespmem:s5], [sflag:$0x11] =	stream.linear.gather [hbm4b:s0+s5], $0x2800, $0x38;
	[tilespmem:$0x13160] =	vst v63  }
0x22: {  	s21 =	sor.u32 s29, s5;
	_ =	swait.ge [sflag:s9], $0x2800  }
0x23: {  	p1 =	sne.s32 s21, $0x0;
	[sflag:s9] =	ssyncset.done $0x0  }
0x24: {  	s0 =	simm.s32 @p1 $0x9;
	[sflag:s9] =	ssyncadd.s32 $0xFFFFD800  }
0x25: {  	_ =	swait.ge @p1 [sflag:s0], $0x2000  }
0x26: {  	s7 =	simm.s32 @p1 $0xA;
	s8 =	simm.s32 @p1 $0x40;
	[sflag:s0] =	ssyncset.done @p1 $0x0  }
0x27: {  	s5 =	simm.s32 @p1 $0x2800;
	[sflag:s0] =	ssyncadd.s32 @p1 $0xFFFFE000;
	s0 =	simm.s32 @p1 $0x0  }
0x28: {  	[tilespmem:s5], [sflag:$0x1] =	stream.indirect.gather @p1 [spmem:s2], $0x80, s0, s8, $0xb8;
	[tilespmem:$0x13160] =	vst v63  }
0x29: {  	_ =	swait.ge @p1 [sflag:s7], $0x2000  }
0x2a: {  	s0 =	simm.s32 @p1 $0xB;
	[sflag:s7] =	ssyncset.done @p1 $0x0  }
0x2b: {  	s5 =	simm.s32 @p1 $0x40;
	[sflag:s7] =	ssyncadd.s32 @p1 $0xFFFFE000;
	s7 =	simm.s32 @p1 $0x4800  }
0x2c: {  	[tilespmem:s7], [sflag:$0x2] =	stream.indirect.gather @p1 [spmem:s2], $0x80, s5, s8, $0xb8;
	[tilespmem:$0x13160] =	vst v63  }
0x2d: {  	_ =	swait.ge @p1 [sflag:s0], $0x2000  }
0x2e: {  	s5 =	simm.s32 @p1 $0xC;
	[sflag:s0] =	ssyncset.done @p1 $0x0  }
0x2f: {  	s7 =	simm.s32 @p1 $0x6800;
	[sflag:s0] =	ssyncadd.s32 @p1 $0xFFFFE000;
	s0 =	simm.s32 @p1 $0x80  }
0x30: {  	[tilespmem:s7], [sflag:$0x3] =	stream.indirect.gather @p1 [spmem:s2], $0x80, s0, s8, $0xb8;
	[tilespmem:$0x13160] =	vst v63  }
0x31: {  	_ =	swait.ge @p1 [sflag:s5], $0x2000  }
0x32: {  	s0 =	simm.s32 @p1 $0xD;
	[sflag:s5] =	ssyncset.done @p1 $0x0  }
0x33: {  	s7 =	simm.s32 @p1 $0x8800;
	[sflag:s5] =	ssyncadd.s32 @p1 $0xFFFFE000;
	s5 =	simm.s32 @p1 $0xC0  }
0x34: {  	[tilespmem:s7], [sflag:$0x4] =	stream.indirect.gather @p1 [spmem:s2], $0x80, s5, s8, $0xb8;
	[tilespmem:$0x13160] =	vst v63  }
0x35: {  	_ =	swait.ge @p1 [sflag:s0], $0x2000  }
0x36: {  	s5 =	simm.s32 @p1 $0xE;
	[sflag:s0] =	ssyncset.done @p1 $0x0  }
0x37: {  	s7 =	simm.s32 @p1 $0xA800;
	[sflag:s0] =	ssyncadd.s32 @p1 $0xFFFFE000;
	s0 =	simm.s32 @p1 $0x100  }
0x38: {  	[tilespmem:s7], [sflag:$0x5] =	stream.indirect.gather @p1 [spmem:s2], $0x80, s0, s8, $0xb8;
	[tilespmem:$0x13160] =	vst v63  }
0x39: {  	_ =	swait.ge @p1 [sflag:s5], $0x2000  }
0x3a: {  	s0 =	simm.s32 @p1 $0xF;
	[sflag:s5] =	ssyncset.done @p1 $0x0  }
0x3b: {  	s7 =	simm.s32 @p1 $0xC800;
	[sflag:s5] =	ssyncadd.s32 @p1 $0xFFFFE000;
	s5 =	simm.s32 @p1 $0x140  }
0x3c: {  	[tilespmem:s7], [sflag:$0x6] =	stream.indirect.gather @p1 [spmem:s2], $0x80, s5, s8, $0xb8;
	[tilespmem:$0x13160] =	vst v63  }
0x3d: {  	_ =	swait.ge @p1 [sflag:s0], $0x2000  }
0x3e: {  	s5 =	simm.s32 $0x180;
	[sflag:s0] =	ssyncset.done @p1 $0x0  }
0x3f: {  	s7 =	simm.s32 @p1 $0x10;
	[sflag:s0] =	ssyncadd.s32 @p1 $0xFFFFE000;
	s0 =	simm.s32 @p1 $0xE800  }
0x40: {  	[tilespmem:s0], [sflag:$0x7] =	stream.indirect.gather @p1 [spmem:s2], $0x80, s5, s8, $0xb8;
	[tilespmem:$0x13160] =	vst v63  }
0x41: {  	_ =	swait.ge @p1 [sflag:s7], $0x2000  }
0x42: {  	s0 =	simm.s32 @!p1 $0x2800;
	[sflag:s7] =	ssyncset.done @p1 $0x0  }
0x43: {  	s5 =	simm.s32 @!p1 $0x40;
	[sflag:s7] =	ssyncadd.s32 @p1 $0xFFFFE000;
	s7 =	simm.s32 @!p1 $0x0  }
0x44: {  	[tilespmem:s0], [sflag:$0x1] =	stream.indirect.gather @!p1 [spmem:s2], $0x80, s7, s5, $0xb8;
	[tilespmem:$0x13160] =	vst v63  }
0x45: {  	s0 =	simm.s32 @!p1 $0x4800  }
0x46: {  	[tilespmem:s0], [sflag:$0x2] =	stream.indirect.gather @!p1 [spmem:s2], $0x80, s5, s5, $0xb8;
	[tilespmem:$0x13160] =	vst v63  }
0x47: {  	s7 =	simm.s32 @!p1 $0x6800;
	s0 =	simm.s32 @!p1 $0x80  }
0x48: {  	[tilespmem:s7], [sflag:$0x3] =	stream.indirect.gather @!p1 [spmem:s2], $0x80, s0, s5, $0xb8;
	[tilespmem:$0x13160] =	vst v63  }
0x49: {  	s0 =	simm.s32 @!p1 $0xC0;
	s7 =	simm.s32 @!p1 $0x8800  }
0x4a: {  	[tilespmem:s7], [sflag:$0x4] =	stream.indirect.gather @!p1 [spmem:s2], $0x80, s0, s5, $0xb8;
	[tilespmem:$0x13160] =	vst v63  }
0x4b: {  	s0 =	simm.s32 @!p1 $0x100;
	s7 =	simm.s32 @!p1 $0xA800  }
0x4c: {  	[tilespmem:s7], [sflag:$0x5] =	stream.indirect.gather @!p1 [spmem:s2], $0x80, s0, s5, $0xb8;
	[tilespmem:$0x13160] =	vst v63  }
0x4d: {  	s8 =	simm.s32 @!p1 $0xC800;
	s7 =	simm.s32 @!p1 $0x140  }
0x4e: {  	[tilespmem:s8], [sflag:$0x6] =	stream.indirect.gather @!p1 [spmem:s2], $0x80, s7, s5, $0xb8;
	[tilespmem:$0x13160] =	vst v63  }
0x4f: {  	s7 =	simm.s32 @!p1 $0x180;
	s8 =	simm.s32 @!p1 $0xE800  }
0x50: {  	[tilespmem:s8], [sflag:$0x7] =	stream.indirect.gather @!p1 [spmem:s2], $0x80, s7, s5, $0xb8;
	[tilespmem:$0x13160] =	vst v63  }
0x51: {  	s19 =	rddreg [dreg:$0x4];
	s0 =	simm.s32 $0x1C0;
	s5 =	simm.s32 @p1 $0x0  }
0x52: {  	s0 =	simm.s32 @!p1 $0x1C0;
	s8 =	simm.s32 @p1 $0x40;
	s5 =	simm.s32 @!p1 $0x0  }
0x53: {  	[tilespmem:s10], [sflag:$0x8] =	stream.indirect.gather [spmem:s2], $0x80, s0, s19, $0xb8;
	[tilespmem:$0x13160] =	vst v63  }
0x54: {  	s8 =	simm.s32 @!p1 $0x40;
	s5 =	sadd.s32 s30, s5  }
0x55: {  	s19 =	sadd.s32 s30, s8;
	s8 =	simm.s32 @p1 $0x80;
	_ =	swait.ge [sflag:s11], $0x2000  }
0x56: {  	s5 =	sshll.u32 s5, $0x4;
	s8 =	simm.s32 @!p1 $0x80;
	[sflag:s11] =	ssyncset.done $0x0  }
0x57: {  	s22 =	rddreg [dreg:$0x5];
	s5 =	sadd.s32 s1, s5;
	[sflag:s11] =	ssyncadd.s32 $0xFFFFE000  }
0x58: {  	[hbm4b:s5+s3] =	stream.linear.scatter [tilespmem:s22], [sflag:$0x9], $0x2000, $0x38;
	[tilespmem:$0x13160] =	vst v63  }
0x59: {  	s21 =	sadd.s32 s30, s8;
	s8 =	simm.s32 @p1 $0xC0;
	_ =	swait.ge [sflag:s12], $0x2000  }
0x5a: {  	s8 =	simm.s32 @!p1 $0xC0;
	s5 =	sshll.u32 s19, $0x4;
	[sflag:s12] =	ssyncset.done $0x0  }
0x5b: {  	s5 =	sadd.s32 s1, s5;
	s20 =	rddreg [dreg:$0x6];
	[sflag:s12] =	ssyncadd.s32 $0xFFFFE000  }
0x5c: {  	[hbm4b:s5+s3] =	stream.linear.scatter [tilespmem:s20], [sflag:$0xA], $0x2000, $0x38;
	[tilespmem:$0x13160] =	vst v63  }
0x5d: {  	s19 =	sadd.s32 s30, s8;
	s8 =	simm.s32 @p1 $0x100;
	_ =	swait.ge [sflag:s13], $0x2000  }
0x5e: {  	s8 =	simm.s32 @!p1 $0x100;
	s5 =	sshll.u32 s21, $0x4;
	[sflag:s13] =	ssyncset.done $0x0  }
0x5f: {  	s5 =	sadd.s32 s1, s5;
	s22 =	rddreg [dreg:$0x7];
	[sflag:s13] =	ssyncadd.s32 $0xFFFFE000  }
0x60: {  	[hbm4b:s5+s3] =	stream.linear.scatter [tilespmem:s22], [sflag:$0xB], $0x2000, $0x38;
	[tilespmem:$0x13160] =	vst v63  }
0x61: {  	s21 =	sadd.s32 s30, s8;
	_ =	swait.ge [sflag:s14], $0x2000  }
0x62: {  	s8 =	simm.s32 @p1 $0x140;
	s5 =	sshll.u32 s19, $0x4;
	[sflag:s14] =	ssyncset.done $0x0  }
0x63: {  	s5 =	sadd.s32 s1, s5;
	s20 =	rddreg [dreg:$0x8];
	[sflag:s14] =	ssyncadd.s32 $0xFFFFE000  }
0x64: {  	[hbm4b:s5+s3] =	stream.linear.scatter [tilespmem:s20], [sflag:$0xC], $0x2000, $0x38;
	[tilespmem:$0x13160] =	vst v63  }
0x65: {  	s8 =	simm.s32 @!p1 $0x140;
	_ =	swait.ge [sflag:s15], $0x2000  }
0x66: {  	s8 =	sadd.s32 s30, s8;
	s5 =	sshll.u32 s21, $0x4;
	[sflag:s15] =	ssyncset.done $0x0  }
0x67: {  	s5 =	sadd.s32 s1, s5;
	s22 =	rddreg [dreg:$0x9];
	[sflag:s15] =	ssyncadd.s32 $0xFFFFE000  }
0x68: {  	[hbm4b:s5+s3] =	stream.linear.scatter [tilespmem:s22], [sflag:$0xD], $0x2000, $0x38;
	[tilespmem:$0x13160] =	vst v63  }
0x69: {  	s5 =	sshll.u32 s8, $0x4;
	s8 =	simm.s32 @p1 $0x180  }
0x6a: {  	s31 =	simm.s32 $0x3C0;
	_ =	swait.ge [sflag:s16], $0x2000;
	s8 =	simm.s32 @!p1 $0x180  }
0x6b: {  	s5 =	sadd.s32 s1, s5;
	[sflag:s16] =	ssyncset.done $0x0;
	s20 =	sadd.s32 s30, s8  }
0x6c: {  	s19 =	rddreg [dreg:$0xa];
	[sflag:s16] =	ssyncadd.s32 $0xFFFFE000;
	s7 =	sshll.u32 s20, $0x4  }
0x6d: {  	[hbm4b:s5+s3] =	stream.linear.scatter [tilespmem:s19], [sflag:$0xE], $0x2000, $0x38;
	[tilespmem:$0x13160] =	vst v63  }
0x6e: {  	s5 =	simm.s32 $0x5C0;
	s19 =	sadd.s32 s30, s0;
	_ =	swait.ge [sflag:s17], $0x2000  }
0x6f: {  	s0 =	simm.s32 $0x380;
	s20 =	sadd.s32 s1, s7;
	[sflag:s17] =	ssyncset.done $0x0  }
0x70: {  	s7 =	simm.s32 $0x1;
	s21 =	rddreg [dreg:$0xb];
	[sflag:s17] =	ssyncadd.s32 $0xFFFFE000  }
0x71: {  	[hbm4b:s20+s3] =	stream.linear.scatter [tilespmem:s21], [sflag:$0xF], $0x2000, $0x38;
	[tilespmem:$0x13160] =	vst v63  }
0x72: {  	s22 =	sor.u32 s29, s7;
	s19 =	sshll.u32 s19, $0x4;
	_ =	swait.ge [sflag:s18], $0x2000  }
0x73: {  	p1 =	sne.s32 s22, $0x0;
	s19 =	sadd.s32 s1, s19;
	[sflag:s18] =	ssyncset.done $0x0  }
.LBB2_3:
0x74: {  	s20 =	simm.s32 @p1 $0x9;
	[sflag:s18] =	ssyncadd.s32 $0xFFFFE000  }
0x75: {  	[hbm4b:s19+s3] =	stream.linear.scatter [tilespmem:s10], [sflag:$0x10], $0x2000, $0x38;
	[tilespmem:$0x13160] =	vst v63  }
0x76: {  	_ =	swait.ge @p1 [sflag:s20], $0x2000  }
0x77: {  	s21 =	simm.s32 @p1 $0x2800;
	s22 =	simm.s32 @p1 $0xA;
	[sflag:s20] =	ssyncset.done @p1 $0x0  }
0x78: {  	s19 =	simm.s32 @p1 $0x40;
	[sflag:s20] =	ssyncadd.s32 @p1 $0xFFFFE000;
	s20 =	sadd.s32 @p1 $0xFFFFFE80, s0  }
0x79: {  	[tilespmem:s21], [sflag:$0x1] =	stream.indirect.gather @p1 [spmem:s2], $0x80, s20, s19, $0xb8;
	[tilespmem:$0x13160] =	vst v63  }
0x7a: {  	_ =	swait.ge @p1 [sflag:s22], $0x2000  }
0x7b: {  	s20 =	simm.s32 @p1 $0xB;
	[sflag:s22] =	ssyncset.done @p1 $0x0  }
0x7c: {  	s21 =	sadd.s32 @p1 $0xFFFFFEC0, s0;
	[sflag:s22] =	ssyncadd.s32 @p1 $0xFFFFE000;
	s22 =	simm.s32 @p1 $0x4800  }
0x7d: {  	[tilespmem:s22], [sflag:$0x2] =	stream.indirect.gather @p1 [spmem:s2], $0x80, s21, s19, $0xb8;
	[tilespmem:$0x13160] =	vst v63  }
0x7e: {  	_ =	swait.ge @p1 [sflag:s20], $0x2000  }
0x7f: {  	s21 =	simm.s32 @p1 $0xC;
	[sflag:s20] =	ssyncset.done @p1 $0x0  }
0x80: {  	s22 =	simm.s32 @p1 $0x6800;
	[sflag:s20] =	ssyncadd.s32 @p1 $0xFFFFE000;
	s20 =	sadd.s32 @p1 $0xFFFFFF00, s0  }
0x81: {  	[tilespmem:s22], [sflag:$0x3] =	stream.indirect.gather @p1 [spmem:s2], $0x80, s20, s19, $0xb8;
	[tilespmem:$0x13160] =	vst v63  }
0x82: {  	_ =	swait.ge @p1 [sflag:s21], $0x2000  }
0x83: {  	s20 =	simm.s32 @p1 $0xD;
	[sflag:s21] =	ssyncset.done @p1 $0x0  }
0x84: {  	s22 =	simm.s32 @p1 $0x8800;
	[sflag:s21] =	ssyncadd.s32 @p1 $0xFFFFE000;
	s21 =	sadd.s32 @p1 $0xFFFFFF40, s0  }
0x85: {  	[tilespmem:s22], [sflag:$0x4] =	stream.indirect.gather @p1 [spmem:s2], $0x80, s21, s19, $0xb8;
	[tilespmem:$0x13160] =	vst v63  }
0x86: {  	_ =	swait.ge @p1 [sflag:s20], $0x2000  }
0x87: {  	s21 =	simm.s32 @p1 $0xE;
	[sflag:s20] =	ssyncset.done @p1 $0x0  }
0x88: {  	s22 =	simm.s32 @p1 $0xA800;
	[sflag:s20] =	ssyncadd.s32 @p1 $0xFFFFE000;
	s20 =	sadd.s32 @p1 $0xFFFFFF80, s0  }
0x89: {  	[tilespmem:s22], [sflag:$0x5] =	stream.indirect.gather @p1 [spmem:s2], $0x80, s20, s19, $0xb8;
	[tilespmem:$0x13160] =	vst v63  }
0x8a: {  	_ =	swait.ge @p1 [sflag:s21], $0x2000  }
0x8b: {  	s20 =	simm.s32 @p1 $0xF;
	[sflag:s21] =	ssyncset.done @p1 $0x0  }
0x8c: {  	s22 =	simm.s32 @p1 $0xC800;
	[sflag:s21] =	ssyncadd.s32 @p1 $0xFFFFE000;
	s21 =	sadd.s32 @p1 $0xFFFFFFC0, s0  }
0x8d: {  	[tilespmem:s22], [sflag:$0x6] =	stream.indirect.gather @p1 [spmem:s2], $0x80, s21, s19, $0xb8;
	[tilespmem:$0x13160] =	vst v63  }
0x8e: {  	_ =	swait.ge @p1 [sflag:s20], $0x2000  }
0x8f: {  	[sflag:s20] =	ssyncset.done @p1 $0x0  }
0x90: {  	s21 =	simm.s32 @p1 $0x10;
	[sflag:s20] =	ssyncadd.s32 @p1 $0xFFFFE000;
	s20 =	simm.s32 @p1 $0xE800  }
0x91: {  	[tilespmem:s20], [sflag:$0x7] =	stream.indirect.gather @p1 [spmem:s2], $0x80, s0, s19, $0xb8;
	[tilespmem:$0x13160] =	vst v63  }
0x92: {  	_ =	swait.ge @p1 [sflag:s21], $0x2000  }
0x93: {  	s19 =	simm.s32 @!p1 $0x2800;
	[sflag:s21] =	ssyncset.done @p1 $0x0  }
0x94: {  	s20 =	simm.s32 @!p1 $0x40;
	[sflag:s21] =	ssyncadd.s32 @p1 $0xFFFFE000;
	s21 =	simm.s32 @!p1 $0x0  }
0x95: {  	[tilespmem:s19], [sflag:$0x1] =	stream.indirect.gather @!p1 [spmem:s2], $0x80, s21, s20, $0xb8;
	[tilespmem:$0x13160] =	vst v63  }
0x96: {  	s19 =	simm.s32 @!p1 $0x4800  }
0x97: {  	[tilespmem:s19], [sflag:$0x2] =	stream.indirect.gather @!p1 [spmem:s2], $0x80, s20, s20, $0xb8;
	[tilespmem:$0x13160] =	vst v63  }
0x98: {  	s21 =	simm.s32 @!p1 $0x6800;
	s19 =	simm.s32 @!p1 $0x80  }
0x99: {  	[tilespmem:s21], [sflag:$0x3] =	stream.indirect.gather @!p1 [spmem:s2], $0x80, s19, s20, $0xb8;
	[tilespmem:$0x13160] =	vst v63  }
0x9a: {  	s19 =	simm.s32 @!p1 $0xC0;
	s21 =	simm.s32 @!p1 $0x8800  }
0x9b: {  	[tilespmem:s21], [sflag:$0x4] =	stream.indirect.gather @!p1 [spmem:s2], $0x80, s19, s20, $0xb8;
	[tilespmem:$0x13160] =	vst v63  }
0x9c: {  	s19 =	simm.s32 @!p1 $0x100;
	s21 =	simm.s32 @!p1 $0xA800  }
0x9d: {  	[tilespmem:s21], [sflag:$0x5] =	stream.indirect.gather @!p1 [spmem:s2], $0x80, s19, s20, $0xb8;
	[tilespmem:$0x13160] =	vst v63  }
0x9e: {  	s8 =	smov.u32 s5;
	s19 =	simm.s32 @!p1 $0x140;
	s21 =	simm.s32 @!p1 $0xC800  }
0x9f: {  	[tilespmem:s21], [sflag:$0x6] =	stream.indirect.gather @!p1 [spmem:s2], $0x80, s19, s20, $0xb8;
	[tilespmem:$0x13160] =	vst v63  }
0xa0: {  	s5 =	sadd.s32 $0x200, s5;
	s19 =	simm.s32 @!p1 $0x180;
	s21 =	simm.s32 @!p1 $0xE800  }
0xa1: {  	[tilespmem:s21], [sflag:$0x7] =	stream.indirect.gather @!p1 [spmem:s2], $0x80, s19, s20, $0xb8;
	[tilespmem:$0x13160] =	vst v63  }
0xa2: {  	s7 =	sadd.s32 $0x1, s7;
	s20 =	sadd.s32 @p1 $0xFFFFFE40, s31;
	s19 =	smov.u32 s31  }
0xa3: {  	s22 =	rddreg [dreg:$0x4];
	s19 =	simm.s32 @!p1 $0x1C0;
	s20 =	simm.s32 @!p1 $0x0  }
0xa4: {  	[tilespmem:s10], [sflag:$0x8] =	stream.indirect.gather [spmem:s2], $0x80, s19, s22, $0xb8;
	[tilespmem:$0x13160] =	vst v63  }
0xa5: {  	p2 =	sne.s32 s5, $0x29C0;
	s0 =	sadd.s32 $0x200, s0;
	s20 =	sadd.s32 s30, s20  }
0xa6: {  	s22 =	sadd.s32 @p1 $0xFFFFFE80, s31;
	_ =	swait.ge [sflag:s11], $0x2000;
	s20 =	sshll.u32 s20, $0x4  }
0xa7: {  	s22 =	simm.s32 @!p1 $0x40;
	s21 =	rddreg [dreg:$0x5];
	[sflag:s11] =	ssyncset.done $0x0  }
0xa8: {  	s20 =	sadd.s32 s1, s20;
	s22 =	sadd.s32 s30, s22;
	[sflag:s11] =	ssyncadd.s32 $0xFFFFE000  }
0xa9: {  	[hbm4b:s20+s3] =	stream.linear.scatter [tilespmem:s21], [sflag:$0x9], $0x2000, $0x38;
	[tilespmem:$0x13160] =	vst v63  }
0xaa: {  	s20 =	sshll.u32 s22, $0x4;
	s22 =	sadd.s32 @p1 $0xFFFFFEC0, s31;
	_ =	swait.ge [sflag:s12], $0x2000  }
0xab: {  	s20 =	sadd.s32 s1, s20;
	s22 =	simm.s32 @!p1 $0x80;
	[sflag:s12] =	ssyncset.done $0x0  }
0xac: {  	s21 =	rddreg [dreg:$0x6];
	s22 =	sadd.s32 s30, s22;
	[sflag:s12] =	ssyncadd.s32 $0xFFFFE000  }
0xad: {  	[hbm4b:s20+s3] =	stream.linear.scatter [tilespmem:s21], [sflag:$0xA], $0x2000, $0x38;
	[tilespmem:$0x13160] =	vst v63  }
0xae: {  	s20 =	sshll.u32 s22, $0x4;
	s22 =	sadd.s32 @p1 $0xFFFFFF00, s31;
	_ =	swait.ge [sflag:s13], $0x2000  }
0xaf: {  	s20 =	sadd.s32 s1, s20;
	s22 =	simm.s32 @!p1 $0xC0;
	[sflag:s13] =	ssyncset.done $0x0  }
0xb0: {  	s21 =	rddreg [dreg:$0x7];
	s22 =	sadd.s32 s30, s22;
	[sflag:s13] =	ssyncadd.s32 $0xFFFFE000  }
0xb1: {  	[hbm4b:s20+s3] =	stream.linear.scatter [tilespmem:s21], [sflag:$0xB], $0x2000, $0x38;
	[tilespmem:$0x13160] =	vst v63  }
0xb2: {  	s20 =	sshll.u32 s22, $0x4;
	s22 =	sadd.s32 @p1 $0xFFFFFF40, s31;
	_ =	swait.ge [sflag:s14], $0x2000  }
0xb3: {  	s20 =	sadd.s32 s1, s20;
	s22 =	simm.s32 @!p1 $0x100;
	[sflag:s14] =	ssyncset.done $0x0  }
0xb4: {  	s21 =	rddreg [dreg:$0x8];
	s22 =	sadd.s32 s30, s22;
	[sflag:s14] =	ssyncadd.s32 $0xFFFFE000  }
0xb5: {  	[hbm4b:s20+s3] =	stream.linear.scatter [tilespmem:s21], [sflag:$0xC], $0x2000, $0x38;
	[tilespmem:$0x13160] =	vst v63  }
0xb6: {  	s20 =	sshll.u32 s22, $0x4;
	s22 =	sadd.s32 @p1 $0xFFFFFF80, s31;
	_ =	swait.ge [sflag:s15], $0x2000  }
0xb7: {  	s20 =	sadd.s32 s1, s20;
	s22 =	simm.s32 @!p1 $0x140;
	[sflag:s15] =	ssyncset.done $0x0  }
0xb8: {  	s21 =	rddreg [dreg:$0x9];
	s22 =	sadd.s32 s30, s22;
	[sflag:s15] =	ssyncadd.s32 $0xFFFFE000  }
0xb9: {  	[hbm4b:s20+s3] =	stream.linear.scatter [tilespmem:s21], [sflag:$0xD], $0x2000, $0x38;
	[tilespmem:$0x13160] =	vst v63  }
0xba: {  	s19 =	sadd.s32 s30, s19;
	s20 =	sshll.u32 s22, $0x4;
	_ =	swait.ge [sflag:s16], $0x2000  }
0xbb: {  	s22 =	sadd.s32 @p1 $0xFFFFFFC0, s31;
	s20 =	sadd.s32 s1, s20;
	[sflag:s16] =	ssyncset.done $0x0  }
0xbc: {  	s22 =	simm.s32 @!p1 $0x180;
	s21 =	rddreg [dreg:$0xa];
	[sflag:s16] =	ssyncadd.s32 $0xFFFFE000  }
0xbd: {  	[hbm4b:s20+s3] =	stream.linear.scatter [tilespmem:s21], [sflag:$0xE], $0x2000, $0x38;
	[tilespmem:$0x13160] =	vst v63  }
0xbe: {  	s31 =	smov.u32 s8;
	s20 =	sadd.s32 s30, s22;
	_ =	swait.ge [sflag:s17], $0x2000  }
.Ltmp0:
0xbf: {  	s8 =	sshll.u32 s20, $0x4;
	[sflag:s17] =	ssyncset.done $0x0;
	(pc) =	sbr.rel @p2 .LBB2_3-.Ltmp0, $4  }
0xc0: {  	s21 =	rddreg [dreg:$0xb];
	s8 =	sadd.s32 s1, s8;
	[sflag:s17] =	ssyncadd.s32 $0xFFFFE000  }
0xc1: {  	[hbm4b:s8+s3] =	stream.linear.scatter [tilespmem:s21], [sflag:$0xF], $0x2000, $0x38;
	[tilespmem:$0x13160] =	vst v63  }
0xc2: {  	s19 =	sshll.u32 s19, $0x4;
	s22 =	sor.u32 s29, s7;
	_ =	swait.ge [sflag:s18], $0x2000  }
0xc3: {  	s19 =	sadd.s32 s1, s19;
	p1 =	sne.s32 s22, $0x0;
	[sflag:s18] =	ssyncset.done $0x0  }
0xc4: {  	s5 =	simm.s32 @p1 $0x9;
	[sflag:s18] =	ssyncadd.s32 $0xFFFFE000  }
0xc5: {  	[hbm4b:s19+s3] =	stream.linear.scatter [tilespmem:s10], [sflag:$0x10], $0x2000, $0x38;
	[tilespmem:$0x13160] =	vst v63  }
0xc6: {  	_ =	swait.ge @p1 [sflag:s5], $0x2000  }
0xc7: {  	s7 =	simm.s32 @p1 $0x2800;
	s8 =	simm.s32 @p1 $0xA;
	[sflag:s5] =	ssyncset.done @p1 $0x0  }
0xc8: {  	s19 =	simm.s32 @p1 $0x40;
	[sflag:s5] =	ssyncadd.s32 @p1 $0xFFFFE000;
	s5 =	sadd.s32 @p1 $0xFFFFFE80, s0  }
0xc9: {  	[tilespmem:s7], [sflag:$0x1] =	stream.indirect.gather @p1 [spmem:s2], $0x80, s5, s19, $0xb8;
	[tilespmem:$0x13160] =	vst v63  }
0xca: {  	_ =	swait.ge @p1 [sflag:s8], $0x2000  }
0xcb: {  	s5 =	simm.s32 @p1 $0xB;
	[sflag:s8] =	ssyncset.done @p1 $0x0  }
0xcc: {  	s7 =	sadd.s32 @p1 $0xFFFFFEC0, s0;
	[sflag:s8] =	ssyncadd.s32 @p1 $0xFFFFE000;
	s8 =	simm.s32 @p1 $0x4800  }
0xcd: {  	[tilespmem:s8], [sflag:$0x2] =	stream.indirect.gather @p1 [spmem:s2], $0x80, s7, s19, $0xb8;
	[tilespmem:$0x13160] =	vst v63  }
0xce: {  	_ =	swait.ge @p1 [sflag:s5], $0x2000  }
0xcf: {  	s7 =	simm.s32 @p1 $0xC;
	[sflag:s5] =	ssyncset.done @p1 $0x0  }
0xd0: {  	s8 =	simm.s32 @p1 $0x6800;
	[sflag:s5] =	ssyncadd.s32 @p1 $0xFFFFE000;
	s5 =	sadd.s32 @p1 $0xFFFFFF00, s0  }
0xd1: {  	[tilespmem:s8], [sflag:$0x3] =	stream.indirect.gather @p1 [spmem:s2], $0x80, s5, s19, $0xb8;
	[tilespmem:$0x13160] =	vst v63  }
0xd2: {  	_ =	swait.ge @p1 [sflag:s7], $0x2000  }
0xd3: {  	s5 =	simm.s32 @p1 $0xD;
	[sflag:s7] =	ssyncset.done @p1 $0x0  }
0xd4: {  	s8 =	simm.s32 @p1 $0x8800;
	[sflag:s7] =	ssyncadd.s32 @p1 $0xFFFFE000;
	s7 =	sadd.s32 @p1 $0xFFFFFF40, s0  }
0xd5: {  	[tilespmem:s8], [sflag:$0x4] =	stream.indirect.gather @p1 [spmem:s2], $0x80, s7, s19, $0xb8;
	[tilespmem:$0x13160] =	vst v63  }
0xd6: {  	_ =	swait.ge @p1 [sflag:s5], $0x2000  }
0xd7: {  	s7 =	simm.s32 @p1 $0xE;
	[sflag:s5] =	ssyncset.done @p1 $0x0  }
0xd8: {  	s8 =	simm.s32 @p1 $0xA800;
	[sflag:s5] =	ssyncadd.s32 @p1 $0xFFFFE000;
	s5 =	sadd.s32 @p1 $0xFFFFFF80, s0  }
0xd9: {  	[tilespmem:s8], [sflag:$0x5] =	stream.indirect.gather @p1 [spmem:s2], $0x80, s5, s19, $0xb8;
	[tilespmem:$0x13160] =	vst v63  }
0xda: {  	_ =	swait.ge @p1 [sflag:s7], $0x2000  }
0xdb: {  	s5 =	simm.s32 @p1 $0xF;
	[sflag:s7] =	ssyncset.done @p1 $0x0  }
0xdc: {  	s8 =	simm.s32 @p1 $0xC800;
	[sflag:s7] =	ssyncadd.s32 @p1 $0xFFFFE000;
	s7 =	sadd.s32 @p1 $0xFFFFFFC0, s0  }
0xdd: {  	[tilespmem:s8], [sflag:$0x6] =	stream.indirect.gather @p1 [spmem:s2], $0x80, s7, s19, $0xb8;
	[tilespmem:$0x13160] =	vst v63  }
0xde: {  	_ =	swait.ge @p1 [sflag:s5], $0x2000  }
0xdf: {  	[sflag:s5] =	ssyncset.done @p1 $0x0  }
0xe0: {  	s7 =	simm.s32 @p1 $0x10;
	[sflag:s5] =	ssyncadd.s32 @p1 $0xFFFFE000;
	s5 =	simm.s32 @p1 $0xE800  }
0xe1: {  	[tilespmem:s5], [sflag:$0x7] =	stream.indirect.gather @p1 [spmem:s2], $0x80, s0, s19, $0xb8;
	[tilespmem:$0x13160] =	vst v63  }
0xe2: {  	_ =	swait.ge @p1 [sflag:s7], $0x2000  }
0xe3: {  	s0 =	simm.s32 @!p1 $0x2800;
	[sflag:s7] =	ssyncset.done @p1 $0x0  }
0xe4: {  	s5 =	simm.s32 @!p1 $0x40;
	[sflag:s7] =	ssyncadd.s32 @p1 $0xFFFFE000;
	s7 =	simm.s32 @!p1 $0x0  }
0xe5: {  	[tilespmem:s0], [sflag:$0x1] =	stream.indirect.gather @!p1 [spmem:s2], $0x80, s7, s5, $0xb8;
	[tilespmem:$0x13160] =	vst v63  }
0xe6: {  	s0 =	simm.s32 @!p1 $0x4800  }
0xe7: {  	[tilespmem:s0], [sflag:$0x2] =	stream.indirect.gather @!p1 [spmem:s2], $0x80, s5, s5, $0xb8;
	[tilespmem:$0x13160] =	vst v63  }
0xe8: {  	s7 =	simm.s32 @!p1 $0x6800;
	s0 =	simm.s32 @!p1 $0x80  }
0xe9: {  	[tilespmem:s7], [sflag:$0x3] =	stream.indirect.gather @!p1 [spmem:s2], $0x80, s0, s5, $0xb8;
	[tilespmem:$0x13160] =	vst v63  }
0xea: {  	s0 =	simm.s32 @!p1 $0xC0;
	s7 =	simm.s32 @!p1 $0x8800  }
0xeb: {  	[tilespmem:s7], [sflag:$0x4] =	stream.indirect.gather @!p1 [spmem:s2], $0x80, s0, s5, $0xb8;
	[tilespmem:$0x13160] =	vst v63  }
0xec: {  	s0 =	simm.s32 @!p1 $0x100;
	s7 =	simm.s32 @!p1 $0xA800  }
0xed: {  	[tilespmem:s7], [sflag:$0x5] =	stream.indirect.gather @!p1 [spmem:s2], $0x80, s0, s5, $0xb8;
	[tilespmem:$0x13160] =	vst v63  }
0xee: {  	s8 =	sadd.s32 @p1 $0xFFFFFE80, s31;
	s0 =	simm.s32 @!p1 $0x140;
	s7 =	simm.s32 @!p1 $0xC800  }
0xef: {  	[tilespmem:s7], [sflag:$0x6] =	stream.indirect.gather @!p1 [spmem:s2], $0x80, s0, s5, $0xb8;
	[tilespmem:$0x13160] =	vst v63  }
0xf0: {  	s8 =	simm.s32 @!p1 $0x40;
	s0 =	simm.s32 @!p1 $0x180;
	s7 =	simm.s32 @!p1 $0xE800  }
0xf1: {  	[tilespmem:s7], [sflag:$0x7] =	stream.indirect.gather @!p1 [spmem:s2], $0x80, s0, s5, $0xb8;
	[tilespmem:$0x13160] =	vst v63  }
0xf2: {  	s21 =	sadd.s32 s30, s8;
	s0 =	smov.u32 s31;
	s5 =	sadd.s32 @p1 $0xFFFFFE40, s31  }
0xf3: {  	s19 =	rddreg [dreg:$0x4];
	s0 =	simm.s32 @!p1 $0x1C0;
	s5 =	simm.s32 @!p1 $0x0  }
0xf4: {  	[tilespmem:s10], [sflag:$0x8] =	stream.indirect.gather [spmem:s2], $0x80, s0, s19, $0xb8;
	[tilespmem:$0x13160] =	vst v63  }
0xf5: {  	s8 =	sadd.s32 @p1 $0xFFFFFEC0, s31;
	s5 =	sadd.s32 s30, s5;
	_ =	swait.ge [sflag:s11], $0x2000  }
0xf6: {  	s8 =	simm.s32 @!p1 $0x80;
	s5 =	sshll.u32 s5, $0x4;
	[sflag:s11] =	ssyncset.done $0x0  }
0xf7: {  	s20 =	rddreg [dreg:$0x5];
	s5 =	sadd.s32 s1, s5;
	[sflag:s11] =	ssyncadd.s32 $0xFFFFE000  }
0xf8: {  	[hbm4b:s5+s3] =	stream.linear.scatter [tilespmem:s20], [sflag:$0x9], $0x2000, $0x38;
	[tilespmem:$0x13160] =	vst v63  }
0xf9: {  	s19 =	sadd.s32 s30, s8;
	s8 =	sadd.s32 @p1 $0xFFFFFF00, s31;
	_ =	swait.ge [sflag:s12], $0x2000  }
0xfa: {  	s8 =	simm.s32 @!p1 $0xC0;
	s5 =	sshll.u32 s21, $0x4;
	[sflag:s12] =	ssyncset.done $0x0  }
0xfb: {  	s5 =	sadd.s32 s1, s5;
	s22 =	rddreg [dreg:$0x6];
	[sflag:s12] =	ssyncadd.s32 $0xFFFFE000  }
0xfc: {  	[hbm4b:s5+s3] =	stream.linear.scatter [tilespmem:s22], [sflag:$0xA], $0x2000, $0x38;
	[tilespmem:$0x13160] =	vst v63  }
0xfd: {  	s21 =	sadd.s32 s30, s8;
	_ =	swait.ge [sflag:s13], $0x2000  }
0xfe: {  	s8 =	sadd.s32 @p1 $0xFFFFFF40, s31;
	s5 =	sshll.u32 s19, $0x4;
	[sflag:s13] =	ssyncset.done $0x0  }
0xff: {  	s5 =	sadd.s32 s1, s5;
	s20 =	rddreg [dreg:$0x7];
	[sflag:s13] =	ssyncadd.s32 $0xFFFFE000  }
0x100: {  	[hbm4b:s5+s3] =	stream.linear.scatter [tilespmem:s20], [sflag:$0xB], $0x2000, $0x38;
	[tilespmem:$0x13160] =	vst v63  }
0x101: {  	s8 =	simm.s32 @!p1 $0x100;
	_ =	swait.ge [sflag:s14], $0x2000  }
0x102: {  	s8 =	sadd.s32 s30, s8;
	s5 =	sshll.u32 s21, $0x4;
	[sflag:s14] =	ssyncset.done $0x0  }
0x103: {  	s5 =	sadd.s32 s1, s5;
	s22 =	rddreg [dreg:$0x8];
	[sflag:s14] =	ssyncadd.s32 $0xFFFFE000  }
0x104: {  	[hbm4b:s5+s3] =	stream.linear.scatter [tilespmem:s22], [sflag:$0xC], $0x2000, $0x38;
	[tilespmem:$0x13160] =	vst v63  }
0x105: {  	s5 =	sshll.u32 s8, $0x4;
	_ =	swait.ge [sflag:s15], $0x2000  }
0x106: {  	s8 =	sadd.s32 @p1 $0xFFFFFF80, s31;
	s5 =	sadd.s32 s1, s5;
	[sflag:s15] =	ssyncset.done $0x0  }
0x107: {  	s8 =	simm.s32 @!p1 $0x140;
	s19 =	rddreg [dreg:$0x9];
	[sflag:s15] =	ssyncadd.s32 $0xFFFFE000  }
0x108: {  	[hbm4b:s5+s3] =	stream.linear.scatter [tilespmem:s19], [sflag:$0xD], $0x2000, $0x38;
	[tilespmem:$0x13160] =	vst v63  }
0x109: {  	s20 =	sadd.s32 s30, s8;
	s8 =	sadd.s32 @p1 $0xFFFFFFC0, s31;
	_ =	swait.ge [sflag:s16], $0x2000  }
0x10a: {  	s8 =	simm.s32 @!p1 $0x180;
	s5 =	sshll.u32 s20, $0x4;
	[sflag:s16] =	ssyncset.done $0x0  }
0x10b: {  	s5 =	sadd.s32 s1, s5;
	s21 =	rddreg [dreg:$0xa];
	[sflag:s16] =	ssyncadd.s32 $0xFFFFE000  }
0x10c: {  	[hbm4b:s5+s3] =	stream.linear.scatter [tilespmem:s21], [sflag:$0xE], $0x2000, $0x38;
	[tilespmem:$0x13160] =	vst v63  }
0x10d: {  	s29 =	sadd.s32 $0x1, s29;
	s22 =	sadd.s32 s30, s8;
	_ =	swait.ge [sflag:s17], $0x2000  }
0x10e: {  	p1 =	sne.s32 s29, $0xA;
	s5 =	sshll.u32 s22, $0x4;
	[sflag:s17] =	ssyncset.done $0x0  }
0x10f: {  	s5 =	sadd.s32 s1, s5;
	s31 =	rddreg [dreg:$0xb];
	[sflag:s17] =	ssyncadd.s32 $0xFFFFE000  }
0x110: {  	[hbm4b:s5+s3] =	stream.linear.scatter [tilespmem:s31], [sflag:$0xF], $0x2000, $0x38;
	[tilespmem:$0x13160] =	vst v63  }
.Ltmp1:
0x111: {  	_ = 	snop;
	(pc) =	sbr.rel @p1 .LBB2_2-.Ltmp1, $4  }
0x112: {  	s0 =	sadd.s32 s30, s0;
	_ =	swait.ge [sflag:s18], $0x2000  }
0x113: {  	s0 =	sshll.u32 s0, $0x4;
	[sflag:s18] =	ssyncset.done $0x0  }
0x114: {  	s0 =	sadd.s32 s1, s0;
	[sflag:s18] =	ssyncadd.s32 $0xFFFFE000  }
0x115: {  	[hbm4b:s0+s3] =	stream.linear.scatter [tilespmem:s10], [sflag:$0x10], $0x2000, $0x38;
	[tilespmem:$0x13160] =	vst v63  }
0x116: {  	s0 =	simm.s32 $0x9  }
0x117: {  	_ =	swait.ge [sflag:s0], $0x2000  }
0x118: {  	[sflag:s0] =	ssyncset.done $0x0  }
0x119: {  	s22 =	simm.s32 $0xA;
	[sflag:s0] =	ssyncadd.s32 $0xFFFFE000  }
0x11a: {  	_ =	swait.ge [sflag:s22], $0x2000  }
0x11b: {  	[sflag:s22] =	ssyncset.done $0x0  }
0x11c: {  	s29 =	simm.s32 $0xB;
	[sflag:s22] =	ssyncadd.s32 $0xFFFFE000  }
0x11d: {  	_ =	swait.ge [sflag:s29], $0x2000  }
0x11e: {  	[sflag:s29] =	ssyncset.done $0x0  }
0x11f: {  	s30 =	simm.s32 $0xC;
	[sflag:s29] =	ssyncadd.s32 $0xFFFFE000  }
0x120: {  	_ =	swait.ge [sflag:s30], $0x2000  }
0x121: {  	[sflag:s30] =	ssyncset.done $0x0  }
0x122: {  	[sflag:s30] =	ssyncadd.s32 $0xFFFFE000  }
0x123: {  	_ =	swait.ge [sflag:s23], $0x2000  }
0x124: {  	[sflag:s23] =	ssyncset.done $0x0  }
0x125: {  	[sflag:s23] =	ssyncadd.s32 $0xFFFFE000  }
0x126: {  	_ =	swait.ge [sflag:s24], $0x2000  }
0x127: {  	[sflag:s24] =	ssyncset.done $0x0  }
0x128: {  	[sflag:s24] =	ssyncadd.s32 $0xFFFFE000  }
0x129: {  	_ =	swait.ge [sflag:s25], $0x2000  }
0x12a: {  	[sflag:s25] =	ssyncset.done $0x0  }
0x12b: {  	[sflag:s25] =	ssyncadd.s32 $0xFFFFE000  }
0x12c: {  	_ =	swait.ge [sflag:s26], $0x2000  }
0x12d: {  	s28 =	sadd.s32 $0x1, s28;
	s31 =	rddreg [dreg:$0xd]  }
0x12e: {  	p1 =	sne.s32 s28, s31  }
.Ltmp2:
0x12f: {  	_ = 	snop;
	(pc) =	sbr.rel @p1 .LBB2_1-.Ltmp2, $3  }
0x130: {  	_ =	sdelay $0x1  }
0x131: {  	[sflag:s26] =	ssyncset.done $0x0  }
0x132: {  	[sflag:s26] =	ssyncadd.s32 $0xFFFFE000  }
0x133: {  	_ =	sfence.sel $0x180000  }
0x134: {  	[bflag:$0x0] =	sbarrier.arrive $0xFFFF  }
0x135: {  	_ =	strace $0x90000047  }
0x136: {  	[bflag:$0x2] =	sbarrier.arrive $0xFFFF  }
0x137: {  	s0 =	rddreg [dreg:$0x3]  }
0x138: {  	s0 =	sadd.s32 @!p0 $0x100000, s0  }
0x139: {  	[sflag:s0] =	ssyncadd.tile.s32 @!p0 $0x1;
	_ =	shalt  }
.Lfunc_end2:
_tile_overlayer_lowered:
.L_overlay_start_2:
0x13a: {  	(tag) =	ssettag $0x2  }
0x13b: {  	s0 =	rddreg [dreg:$0x0];
	s2 =	stileid.u32  }
0x13c: {  	s1 =	rddreg [dreg:$0x1];
	p0 =	sne.s32 s2, $0x0  }
0x13d: {  	s3 =	rddreg [dreg:$0x2];
	[bflag:$0x3] =	sbarrier.arrive $0xFFFF;
	s2 =	simm.s32 @!p0 $0x1C11  }
0x13e: {  	[timem:s3], [sflag:s2] =	dma.local @!p0 [hbm:s0], s1  }
0x13f: {  	s0 =	simm.s32 @!p0 $0x11  }
0x140: {  	_ =	swait.ge @!p0 [sflag:s0], s1  }
0x141: {  	s1 =	ssub.s32 @!p0 $0x0, s1;
	[sflag:s0] =	ssyncset.done @!p0 $0x0  }
0x142: {  	[sflag:s0] =	ssyncadd.s32 @!p0 s1  }
0x143: {  	[bflag:$0x3] =	sbarrier.arrive $0xFFFF  }
0x144: {  	_ =	shalt  }

</sc_bundles>
